<compile_context>
chip_gen: v7x
topology: tpu7x:2x2x1
jax: 0.10.2.dev20260603
libtpu: 0.0.44.dev20260713+nightly
codegen_flags: <defaults>
</compile_context>

<pallas_src>
import dataclasses
import functools

import jax
import jax.numpy as jnp
from jax import lax
from jax.experimental import pallas as pl
from jax.experimental.pallas import tpu as pltpu
from jax.experimental.pallas import tpu_sc as plsc

_L = 16
_NC = 2
_NS = 16
_RB = 1
_NBUF = 8


def _gather_rows(x2d, idx2d):
    rows, k = x2d.shape
    _, n = idx2d.shape
    nw = _NC * _NS
    rows_per_w = rows // nw
    blocks_per_w = rows_per_w // _RB
    ntrips = -(-blocks_per_w // _NBUF) * _NBUF
    mesh = plsc.VectorSubcoreMesh(core_axis_name="c", subcore_axis_name="s")

    cp = pltpu.CompilerParams()
    if "needs_layout_passes" in pltpu.CompilerParams.__dataclass_fields__:
        cp = dataclasses.replace(cp, needs_layout_passes=False)

    @functools.partial(
        pl.kernel,
        compiler_params=cp,
        out_type=jax.ShapeDtypeStruct((rows, n), jnp.float32),
        mesh=mesh,
        scratch_types=(
            [pltpu.VMEM((_RB, k), jnp.float32)] * _NBUF
            + [pltpu.VMEM((_RB, n), jnp.int32)] * _NBUF
            + [pltpu.VMEM((_RB, n), jnp.float32)] * _NBUF
            + [pltpu.SemaphoreType.DMA] * (2 * _NBUF)
        ),
    )
    def sc_kernel(x_hbm, idx_hbm, out_hbm, *bufs):
        xbufs = bufs[0:_NBUF]
        ibufs = bufs[_NBUF:2 * _NBUF]
        obufs = bufs[2 * _NBUF:3 * _NBUF]
        sems = bufs[3 * _NBUF:4 * _NBUF]
        osems = bufs[4 * _NBUF:5 * _NBUF]
        wid = lax.axis_index("s") * _NC + lax.axis_index("c")
        base = wid * rows_per_w

        def start_in(blk, b):
            r0 = base + blk * _RB
            pltpu.make_async_copy(
                x_hbm.at[pl.ds(r0, _RB)], xbufs[b], sems[b]).start()
            pltpu.make_async_copy(
                idx_hbm.at[pl.ds(r0, _RB)], ibufs[b], sems[b]).start()

        def wait_in(b):
            pltpu.make_async_copy(
                x_hbm.at[pl.ds(base, _RB)], xbufs[b], sems[b]).wait()
            pltpu.make_async_copy(
                idx_hbm.at[pl.ds(base, _RB)], ibufs[b], sems[b]).wait()

        def start_out(blk, b):
            r0 = base + blk * _RB
            pltpu.make_async_copy(
                obufs[b], out_hbm.at[pl.ds(r0, _RB)], osems[b]).start()

        def wait_out(b):
            pltpu.make_async_copy(
                obufs[b], out_hbm.at[pl.ds(base, _RB)], osems[b]).wait()

        for p in range(_NBUF - 1):
            if p < blocks_per_w:
                start_in(p, p)

        @pl.loop(0, ntrips, step=_NBUF)
        def _(blk):
            for b in range(_NBUF):
                g = blk + b

                @pl.when(g + _NBUF - 1 < blocks_per_w)
                def _():
                    start_in(g + _NBUF - 1, (b + _NBUF - 1) % _NBUF)

                @pl.when(g < blocks_per_w)
                def _():
                    wait_in(b)

                    @pl.when(g >= _NBUF)
                    def _():
                        wait_out(b)

                    for j in range(_RB):
                        jv = jnp.full((_L,), j, jnp.int32)

                        @plsc.parallel_loop(0, n, step=_L, unroll=4)
                        def _(i, j=j, jv=jv):
                            iv = ibufs[b][j, pl.ds(i, _L)]
                            obufs[b][j, pl.ds(i, _L)] = plsc.load_gather(
                                xbufs[b], [jv, iv])

                    start_out(g, b)

        for b in range(min(_NBUF, blocks_per_w)):
            wait_out(b)

    return sc_kernel(x2d, idx2d)


def kernel(x, indices):
    b, h, k = x.shape
    n = indices.shape[-1]
    x2d = x.reshape(b * h, k)
    idx2d = indices.astype(jnp.int32).reshape(b * h, n)
    out = _gather_rows(x2d, idx2d)
    return out.reshape(b, h, n)

# --- scband reference (transcript-rebuilt; emitter-appended) ---
"""Pipeline reference for scband-dynamic-gather-73710228734282 (READ-ONLY COPY).

The authoritative reference and input builder live on the scoring server;
editing this copy changes nothing except your own understanding.
"""

import jax, jax.numpy as jnp
import numpy as np

def setup_inputs(seed: int = 0) -> dict:
    key = jax.random.key(seed)
    k1, k2 = jax.random.split(key)
    x = jax.random.normal(k1, (64, 32, 8192), dtype=jnp.float32)
    indices = jax.random.randint(k2, (64, 32, 1024), 0, 8192, dtype=jnp.int64)
    return {"x": x, "indices": indices}

def reference(x, indices):
    # torch.gather(x, 2, indices) == take_along_axis on axis 2
    return jnp.take_along_axis(x, indices, axis=2)

if __name__ == "__main__":
    import jax
    _d = setup_inputs()
    print(jax.jit(kernel)(*tuple(_d.values())))

</pallas_src>

<mosaic_0001>
#map = affine_map<(d0, d1) -> (0, 0)>
module attributes {stable_mosaic.version = 14 : i64} {
  func.func @sc_kernel(%arg0: i32, %arg1: i32, %arg2: memref<2048x8192xf32, #tpu.memory_space<hbm>>, %arg3: memref<2048x1024xi32, #tpu.memory_space<hbm>>, %arg4: memref<2048x1024xf32, #tpu.memory_space<hbm>>, %arg5: memref<1x8192xf32, #tpu.memory_space<vmem>>, %arg6: memref<1x8192xf32, #tpu.memory_space<vmem>>, %arg7: memref<1x8192xf32, #tpu.memory_space<vmem>>, %arg8: memref<1x8192xf32, #tpu.memory_space<vmem>>, %arg9: memref<1x8192xf32, #tpu.memory_space<vmem>>, %arg10: memref<1x8192xf32, #tpu.memory_space<vmem>>, %arg11: memref<1x8192xf32, #tpu.memory_space<vmem>>, %arg12: memref<1x8192xf32, #tpu.memory_space<vmem>>, %arg13: memref<1x1024xi32, #tpu.memory_space<vmem>>, %arg14: memref<1x1024xi32, #tpu.memory_space<vmem>>, %arg15: memref<1x1024xi32, #tpu.memory_space<vmem>>, %arg16: memref<1x1024xi32, #tpu.memory_space<vmem>>, %arg17: memref<1x1024xi32, #tpu.memory_space<vmem>>, %arg18: memref<1x1024xi32, #tpu.memory_space<vmem>>, %arg19: memref<1x1024xi32, #tpu.memory_space<vmem>>, %arg20: memref<1x1024xi32, #tpu.memory_space<vmem>>, %arg21: memref<1x1024xf32, #tpu.memory_space<vmem>>, %arg22: memref<1x1024xf32, #tpu.memory_space<vmem>>, %arg23: memref<1x1024xf32, #tpu.memory_space<vmem>>, %arg24: memref<1x1024xf32, #tpu.memory_space<vmem>>, %arg25: memref<1x1024xf32, #tpu.memory_space<vmem>>, %arg26: memref<1x1024xf32, #tpu.memory_space<vmem>>, %arg27: memref<1x1024xf32, #tpu.memory_space<vmem>>, %arg28: memref<1x1024xf32, #tpu.memory_space<vmem>>, %arg29: memref<!tpu.dma_semaphore, #tpu.memory_space<semaphore_mem>>, %arg30: memref<!tpu.dma_semaphore, #tpu.memory_space<semaphore_mem>>, %arg31: memref<!tpu.dma_semaphore, #tpu.memory_space<semaphore_mem>>, %arg32: memref<!tpu.dma_semaphore, #tpu.memory_space<semaphore_mem>>, %arg33: memref<!tpu.dma_semaphore, #tpu.memory_space<semaphore_mem>>, %arg34: memref<!tpu.dma_semaphore, #tpu.memory_space<semaphore_mem>>, %arg35: memref<!tpu.dma_semaphore, #tpu.memory_space<semaphore_mem>>, %arg36: memref<!tpu.dma_semaphore, #tpu.memory_space<semaphore_mem>>, %arg37: memref<!tpu.dma_semaphore, #tpu.memory_space<semaphore_mem>>, %arg38: memref<!tpu.dma_semaphore, #tpu.memory_space<semaphore_mem>>, %arg39: memref<!tpu.dma_semaphore, #tpu.memory_space<semaphore_mem>>, %arg40: memref<!tpu.dma_semaphore, #tpu.memory_space<semaphore_mem>>, %arg41: memref<!tpu.dma_semaphore, #tpu.memory_space<semaphore_mem>>, %arg42: memref<!tpu.dma_semaphore, #tpu.memory_space<semaphore_mem>>, %arg43: memref<!tpu.dma_semaphore, #tpu.memory_space<semaphore_mem>>, %arg44: memref<!tpu.dma_semaphore, #tpu.memory_space<semaphore_mem>>) attributes {dimension_semantics = [#tpu.dimension_semantics<core_parallel>, #tpu.dimension_semantics<subcore_parallel>], iteration_bounds = array<i64: 2, 16>, scalar_prefetch = 0 : i64, scratch_operands = 40 : i64, tpu.core_type = #tpu.core_type<sc_vector_subcore>, window_params = [{transform_indices = #map}, {transform_indices = #map}, {transform_indices = #map}]} {
    %mul3A = arith.constant 2 : i32
    %mul3A_0 = arith.muli %arg1, %mul3A : i32
    %add3A = arith.addi %mul3A_0, %arg0 : i32
    %mul3A_1 = arith.constant 64 : i32
    %mul3A_2 = arith.muli %add3A, %mul3A_1 : i32
    %add3A_3 = arith.constant 0 : i32
    %add3A_4 = arith.addi %mul3A_2, %add3A_3 : i32
    %dma_start3A = arith.constant 0 : i32
    %dma_start3A_5 = tpu.memref_slice %arg2[%add3A_4, %dma_start3A] : memref<2048x8192xf32, #tpu.memory_space<hbm>> -> memref<1x8192xf32, #tpu.memory_space<hbm>>
    %dma_start3A_6 = arith.constant 0 : i32
    %dma_start3A_7 = tpu.memref_slice %arg2[%add3A_4, %dma_start3A_6] : memref<2048x8192xf32, #tpu.memory_space<hbm>> -> memref<1x8192xf32, #tpu.memory_space<hbm>>
    tpu.enqueue_dma source(%dma_start3A_7 : memref<1x8192xf32, #tpu.memory_space<hbm>>) target(%arg5 : memref<1x8192xf32, #tpu.memory_space<vmem>>) target_semaphore(%arg29 : memref<!tpu.dma_semaphore, #tpu.memory_space<semaphore_mem>>)
    %dma_start3A_8 = arith.constant 0 : i32
    %dma_start3A_9 = tpu.memref_slice %arg3[%add3A_4, %dma_start3A_8] : memref<2048x1024xi32, #tpu.memory_space<hbm>> -> memref<1x1024xi32, #tpu.memory_space<hbm>>
    %dma_start3A_10 = arith.constant 0 : i32
    %dma_start3A_11 = tpu.memref_slice %arg3[%add3A_4, %dma_start3A_10] : memref<2048x1024xi32, #tpu.memory_space<hbm>> -> memref<1x1024xi32, #tpu.memory_space<hbm>>
    tpu.enqueue_dma source(%dma_start3A_11 : memref<1x1024xi32, #tpu.memory_space<hbm>>) target(%arg13 : memref<1x1024xi32, #tpu.memory_space<vmem>>) target_semaphore(%arg29 : memref<!tpu.dma_semaphore, #tpu.memory_space<semaphore_mem>>)
    %add3A_12 = arith.constant 1 : i32
    %add3A_13 = arith.addi %mul3A_2, %add3A_12 : i32
    %dma_start3A_14 = arith.constant 0 : i32
    %dma_start3A_15 = tpu.memref_slice %arg2[%add3A_13, %dma_start3A_14] : memref<2048x8192xf32, #tpu.memory_space<hbm>> -> memref<1x8192xf32, #tpu.memory_space<hbm>>
    %dma_start3A_16 = arith.constant 0 : i32
    %dma_start3A_17 = tpu.memref_slice %arg2[%add3A_13, %dma_start3A_16] : memref<2048x8192xf32, #tpu.memory_space<hbm>> -> memref<1x8192xf32, #tpu.memory_space<hbm>>
    tpu.enqueue_dma source(%dma_start3A_17 : memref<1x8192xf32, #tpu.memory_space<hbm>>) target(%arg6 : memref<1x8192xf32, #tpu.memory_space<vmem>>) target_semaphore(%arg30 : memref<!tpu.dma_semaphore, #tpu.memory_space<semaphore_mem>>)
    %dma_start3A_18 = arith.constant 0 : i32
    %dma_start3A_19 = tpu.memref_slice %arg3[%add3A_13, %dma_start3A_18] : memref<2048x1024xi32, #tpu.memory_space<hbm>> -> memref<1x1024xi32, #tpu.memory_space<hbm>>
    %dma_start3A_20 = arith.constant 0 : i32
    %dma_start3A_21 = tpu.memref_slice %arg3[%add3A_13, %dma_start3A_20] : memref<2048x1024xi32, #tpu.memory_space<hbm>> -> memref<1x1024xi32, #tpu.memory_space<hbm>>
    tpu.enqueue_dma source(%dma_start3A_21 : memref<1x1024xi32, #tpu.memory_space<hbm>>) target(%arg14 : memref<1x1024xi32, #tpu.memory_space<vmem>>) target_semaphore(%arg30 : memref<!tpu.dma_semaphore, #tpu.memory_space<semaphore_mem>>)
    %add3A_22 = arith.constant 2 : i32
    %add3A_23 = arith.addi %mul3A_2, %add3A_22 : i32
    %dma_start3A_24 = arith.constant 0 : i32
    %dma_start3A_25 = tpu.memref_slice %arg2[%add3A_23, %dma_start3A_24] : memref<2048x8192xf32, #tpu.memory_space<hbm>> -> memref<1x8192xf32, #tpu.memory_space<hbm>>
    %dma_start3A_26 = arith.constant 0 : i32
    %dma_start3A_27 = tpu.memref_slice %arg2[%add3A_23, %dma_start3A_26] : memref<2048x8192xf32, #tpu.memory_space<hbm>> -> memref<1x8192xf32, #tpu.memory_space<hbm>>
    tpu.enqueue_dma source(%dma_start3A_27 : memref<1x8192xf32, #tpu.memory_space<hbm>>) target(%arg7 : memref<1x8192xf32, #tpu.memory_space<vmem>>) target_semaphore(%arg31 : memref<!tpu.dma_semaphore, #tpu.memory_space<semaphore_mem>>)
    %dma_start3A_28 = arith.constant 0 : i32
    %dma_start3A_29 = tpu.memref_slice %arg3[%add3A_23, %dma_start3A_28] : memref<2048x1024xi32, #tpu.memory_space<hbm>> -> memref<1x1024xi32, #tpu.memory_space<hbm>>
    %dma_start3A_30 = arith.constant 0 : i32
    %dma_start3A_31 = tpu.memref_slice %arg3[%add3A_23, %dma_start3A_30] : memref<2048x1024xi32, #tpu.memory_space<hbm>> -> memref<1x1024xi32, #tpu.memory_space<hbm>>
    tpu.enqueue_dma source(%dma_start3A_31 : memref<1x1024xi32, #tpu.memory_space<hbm>>) target(%arg15 : memref<1x1024xi32, #tpu.memory_space<vmem>>) target_semaphore(%arg31 : memref<!tpu.dma_semaphore, #tpu.memory_space<semaphore_mem>>)
    %add3A_32 = arith.constant 3 : i32
    %add3A_33 = arith.addi %mul3A_2, %add3A_32 : i32
    %dma_start3A_34 = arith.constant 0 : i32
    %dma_start3A_35 = tpu.memref_slice %arg2[%add3A_33, %dma_start3A_34] : memref<2048x8192xf32, #tpu.memory_space<hbm>> -> memref<1x8192xf32, #tpu.memory_space<hbm>>
    %dma_start3A_36 = arith.constant 0 : i32
    %dma_start3A_37 = tpu.memref_slice %arg2[%add3A_33, %dma_start3A_36] : memref<2048x8192xf32, #tpu.memory_space<hbm>> -> memref<1x8192xf32, #tpu.memory_space<hbm>>
    tpu.enqueue_dma source(%dma_start3A_37 : memref<1x8192xf32, #tpu.memory_space<hbm>>) target(%arg8 : memref<1x8192xf32, #tpu.memory_space<vmem>>) target_semaphore(%arg32 : memref<!tpu.dma_semaphore, #tpu.memory_space<semaphore_mem>>)
    %dma_start3A_38 = arith.constant 0 : i32
    %dma_start3A_39 = tpu.memref_slice %arg3[%add3A_33, %dma_start3A_38] : memref<2048x1024xi32, #tpu.memory_space<hbm>> -> memref<1x1024xi32, #tpu.memory_space<hbm>>
    %dma_start3A_40 = arith.constant 0 : i32
    %dma_start3A_41 = tpu.memref_slice %arg3[%add3A_33, %dma_start3A_40] : memref<2048x1024xi32, #tpu.memory_space<hbm>> -> memref<1x1024xi32, #tpu.memory_space<hbm>>
    tpu.enqueue_dma source(%dma_start3A_41 : memref<1x1024xi32, #tpu.memory_space<hbm>>) target(%arg16 : memref<1x1024xi32, #tpu.memory_space<vmem>>) target_semaphore(%arg32 : memref<!tpu.dma_semaphore, #tpu.memory_space<semaphore_mem>>)
    %add3A_42 = arith.constant 4 : i32
    %add3A_43 = arith.addi %mul3A_2, %add3A_42 : i32
    %dma_start3A_44 = arith.constant 0 : i32
    %dma_start3A_45 = tpu.memref_slice %arg2[%add3A_43, %dma_start3A_44] : memref<2048x8192xf32, #tpu.memory_space<hbm>> -> memref<1x8192xf32, #tpu.memory_space<hbm>>
    %dma_start3A_46 = arith.constant 0 : i32
    %dma_start3A_47 = tpu.memref_slice %arg2[%add3A_43, %dma_start3A_46] : memref<2048x8192xf32, #tpu.memory_space<hbm>> -> memref<1x8192xf32, #tpu.memory_space<hbm>>
    tpu.enqueue_dma source(%dma_start3A_47 : memref<1x8192xf32, #tpu.memory_space<hbm>>) target(%arg9 : memref<1x8192xf32, #tpu.memory_space<vmem>>) target_semaphore(%arg33 : memref<!tpu.dma_semaphore, #tpu.memory_space<semaphore_mem>>)
    %dma_start3A_48 = arith.constant 0 : i32
    %dma_start3A_49 = tpu.memref_slice %arg3[%add3A_43, %dma_start3A_48] : memref<2048x1024xi32, #tpu.memory_space<hbm>> -> memref<1x1024xi32, #tpu.memory_space<hbm>>
    %dma_start3A_50 = arith.constant 0 : i32
    %dma_start3A_51 = tpu.memref_slice %arg3[%add3A_43, %dma_start3A_50] : memref<2048x1024xi32, #tpu.memory_space<hbm>> -> memref<1x1024xi32, #tpu.memory_space<hbm>>
    tpu.enqueue_dma source(%dma_start3A_51 : memref<1x1024xi32, #tpu.memory_space<hbm>>) target(%arg17 : memref<1x1024xi32, #tpu.memory_space<vmem>>) target_semaphore(%arg33 : memref<!tpu.dma_semaphore, #tpu.memory_space<semaphore_mem>>)
    %add3A_52 = arith.constant 5 : i32
    %add3A_53 = arith.addi %mul3A_2, %add3A_52 : i32
    %dma_start3A_54 = arith.constant 0 : i32
    %dma_start3A_55 = tpu.memref_slice %arg2[%add3A_53, %dma_start3A_54] : memref<2048x8192xf32, #tpu.memory_space<hbm>> -> memref<1x8192xf32, #tpu.memory_space<hbm>>
    %dma_start3A_56 = arith.constant 0 : i32
    %dma_start3A_57 = tpu.memref_slice %arg2[%add3A_53, %dma_start3A_56] : memref<2048x8192xf32, #tpu.memory_space<hbm>> -> memref<1x8192xf32, #tpu.memory_space<hbm>>
    tpu.enqueue_dma source(%dma_start3A_57 : memref<1x8192xf32, #tpu.memory_space<hbm>>) target(%arg10 : memref<1x8192xf32, #tpu.memory_space<vmem>>) target_semaphore(%arg34 : memref<!tpu.dma_semaphore, #tpu.memory_space<semaphore_mem>>)
    %dma_start3A_58 = arith.constant 0 : i32
    %dma_start3A_59 = tpu.memref_slice %arg3[%add3A_53, %dma_start3A_58] : memref<2048x1024xi32, #tpu.memory_space<hbm>> -> memref<1x1024xi32, #tpu.memory_space<hbm>>
    %dma_start3A_60 = arith.constant 0 : i32
    %dma_start3A_61 = tpu.memref_slice %arg3[%add3A_53, %dma_start3A_60] : memref<2048x1024xi32, #tpu.memory_space<hbm>> -> memref<1x1024xi32, #tpu.memory_space<hbm>>
    tpu.enqueue_dma source(%dma_start3A_61 : memref<1x1024xi32, #tpu.memory_space<hbm>>) target(%arg18 : memref<1x1024xi32, #tpu.memory_space<vmem>>) target_semaphore(%arg34 : memref<!tpu.dma_semaphore, #tpu.memory_space<semaphore_mem>>)
    %add3A_62 = arith.constant 6 : i32
    %add3A_63 = arith.addi %mul3A_2, %add3A_62 : i32
    %dma_start3A_64 = arith.constant 0 : i32
    %dma_start3A_65 = tpu.memref_slice %arg2[%add3A_63, %dma_start3A_64] : memref<2048x8192xf32, #tpu.memory_space<hbm>> -> memref<1x8192xf32, #tpu.memory_space<hbm>>
    %dma_start3A_66 = arith.constant 0 : i32
    %dma_start3A_67 = tpu.memref_slice %arg2[%add3A_63, %dma_start3A_66] : memref<2048x8192xf32, #tpu.memory_space<hbm>> -> memref<1x8192xf32, #tpu.memory_space<hbm>>
    tpu.enqueue_dma source(%dma_start3A_67 : memref<1x8192xf32, #tpu.memory_space<hbm>>) target(%arg11 : memref<1x8192xf32, #tpu.memory_space<vmem>>) target_semaphore(%arg35 : memref<!tpu.dma_semaphore, #tpu.memory_space<semaphore_mem>>)
    %dma_start3A_68 = arith.constant 0 : i32
    %dma_start3A_69 = tpu.memref_slice %arg3[%add3A_63, %dma_start3A_68] : memref<2048x1024xi32, #tpu.memory_space<hbm>> -> memref<1x1024xi32, #tpu.memory_space<hbm>>
    %dma_start3A_70 = arith.constant 0 : i32
    %dma_start3A_71 = tpu.memref_slice %arg3[%add3A_63, %dma_start3A_70] : memref<2048x1024xi32, #tpu.memory_space<hbm>> -> memref<1x1024xi32, #tpu.memory_space<hbm>>
    tpu.enqueue_dma source(%dma_start3A_71 : memref<1x1024xi32, #tpu.memory_space<hbm>>) target(%arg19 : memref<1x1024xi32, #tpu.memory_space<vmem>>) target_semaphore(%arg35 : memref<!tpu.dma_semaphore, #tpu.memory_space<semaphore_mem>>)
    %scan3A = arith.constant 0 : i32
    %scan3A_72 = arith.constant 8 : i32
    %scan3A_73 = arith.addi %scan3A, %scan3A_72 : i32
    %scan3A_74 = arith.constant 1 : i32
    scf.for %scan3A_107 = %scan3A to %scan3A_73 step %scan3A_74  : i32 {
      %mul3A_108 = arith.constant 8 : i32
      %mul3A_109 = arith.muli %scan3A_107, %mul3A_108 : i32
      %add3A_110 = arith.constant 0 : i32
      %add3A_111 = arith.addi %add3A_110, %mul3A_109 : i32
      %add3A_112 = arith.constant 0 : i32
      %add3A_113 = arith.addi %add3A_111, %add3A_112 : i32
      %add3A_114 = arith.constant 8 : i32
      %add3A_115 = arith.addi %add3A_113, %add3A_114 : i32
      %sub3A = arith.constant 1 : i32
      %sub3A_116 = arith.subi %add3A_115, %sub3A : i32
      %lt3A = arith.constant 64 : i32
      %lt3A_117 = arith.cmpi slt, %sub3A_116, %lt3A : i32
      %convert_element_type3A = arith.extui %lt3A_117 : i1 to i32
      %cond3A = arith.constant 0 : i32
      %cond3A_118 = arith.cmpi ne, %convert_element_type3A, %cond3A : i32
      scf.if %cond3A_118 {
        %add3A_236 = arith.constant 8 : i32
        %add3A_237 = arith.addi %add3A_113, %add3A_236 : i32
        %sub3A_238 = arith.constant 1 : i32
        %sub3A_239 = arith.subi %add3A_237, %sub3A_238 : i32
        %mul3A_240 = arith.constant 1 : i32
        %mul3A_241 = arith.muli %sub3A_239, %mul3A_240 : i32
        %add3A_242 = arith.addi %mul3A_2, %mul3A_241 : i32
        %dma_start3A_243 = arith.constant 0 : i32
        %dma_start3A_244 = tpu.memref_slice %arg2[%add3A_242, %dma_start3A_243] : memref<2048x8192xf32, #tpu.memory_space<hbm>> -> memref<1x8192xf32, #tpu.memory_space<hbm>>
        %dma_start3A_245 = arith.constant 0 : i32
        %dma_start3A_246 = tpu.memref_slice %arg2[%add3A_242, %dma_start3A_245] : memref<2048x8192xf32, #tpu.memory_space<hbm>> -> memref<1x8192xf32, #tpu.memory_space<hbm>>
        tpu.enqueue_dma source(%dma_start3A_246 : memref<1x8192xf32, #tpu.memory_space<hbm>>) target(%arg12 : memref<1x8192xf32, #tpu.memory_space<vmem>>) target_semaphore(%arg36 : memref<!tpu.dma_semaphore, #tpu.memory_space<semaphore_mem>>)
        %dma_start3A_247 = arith.constant 0 : i32
        %dma_start3A_248 = tpu.memref_slice %arg3[%add3A_242, %dma_start3A_247] : memref<2048x1024xi32, #tpu.memory_space<hbm>> -> memref<1x1024xi32, #tpu.memory_space<hbm>>
        %dma_start3A_249 = arith.constant 0 : i32
        %dma_start3A_250 = tpu.memref_slice %arg3[%add3A_242, %dma_start3A_249] : memref<2048x1024xi32, #tpu.memory_space<hbm>> -> memref<1x1024xi32, #tpu.memory_space<hbm>>
        tpu.enqueue_dma source(%dma_start3A_250 : memref<1x1024xi32, #tpu.memory_space<hbm>>) target(%arg20 : memref<1x1024xi32, #tpu.memory_space<vmem>>) target_semaphore(%arg36 : memref<!tpu.dma_semaphore, #tpu.memory_space<semaphore_mem>>)
      } else {
      }
      %lt3A_119 = arith.constant 64 : i32
      %lt3A_120 = arith.cmpi slt, %add3A_113, %lt3A_119 : i32
      %convert_element_type3A_121 = arith.extui %lt3A_120 : i1 to i32
      %cond3A_122 = arith.constant 0 : i32
      %cond3A_123 = arith.cmpi ne, %convert_element_type3A_121, %cond3A_122 : i32
      scf.if %cond3A_123 {
        %dma_wait3A_236 = arith.constant 0 : i32
        %dma_wait3A_237 = tpu.memref_slice %arg2[%mul3A_2, %dma_wait3A_236] : memref<2048x8192xf32, #tpu.memory_space<hbm>> -> memref<1x8192xf32, #tpu.memory_space<hbm>>
        %dma_wait3A_238 = arith.constant 0 : i32
        %dma_wait3A_239 = tpu.memref_slice %arg2[%mul3A_2, %dma_wait3A_238] : memref<2048x8192xf32, #tpu.memory_space<hbm>> -> memref<1x8192xf32, #tpu.memory_space<hbm>>
        tpu.wait_dma2 semaphore(%arg29 : memref<!tpu.dma_semaphore, #tpu.memory_space<semaphore_mem>>) src(%dma_wait3A_239 : memref<1x8192xf32, #tpu.memory_space<hbm>>) dst(%arg5 : memref<1x8192xf32, #tpu.memory_space<vmem>>)
        %dma_wait3A_240 = arith.constant 0 : i32
        %dma_wait3A_241 = tpu.memref_slice %arg3[%mul3A_2, %dma_wait3A_240] : memref<2048x1024xi32, #tpu.memory_space<hbm>> -> memref<1x1024xi32, #tpu.memory_space<hbm>>
        %dma_wait3A_242 = arith.constant 0 : i32
        %dma_wait3A_243 = tpu.memref_slice %arg3[%mul3A_2, %dma_wait3A_242] : memref<2048x1024xi32, #tpu.memory_space<hbm>> -> memref<1x1024xi32, #tpu.memory_space<hbm>>
        tpu.wait_dma2 semaphore(%arg29 : memref<!tpu.dma_semaphore, #tpu.memory_space<semaphore_mem>>) src(%dma_wait3A_243 : memref<1x1024xi32, #tpu.memory_space<hbm>>) dst(%arg13 : memref<1x1024xi32, #tpu.memory_space<vmem>>)
        %ge3A = arith.constant 8 : i32
        %ge3A_244 = arith.cmpi sge, %add3A_113, %ge3A : i32
        %convert_element_type3A_245 = arith.extui %ge3A_244 : i1 to i32
        %cond3A_246 = arith.constant 0 : i32
        %cond3A_247 = arith.cmpi ne, %convert_element_type3A_245, %cond3A_246 : i32
        scf.if %cond3A_247 {
          %dma_wait3A_258 = arith.constant 0 : i32
          %dma_wait3A_259 = tpu.memref_slice %arg4[%mul3A_2, %dma_wait3A_258] : memref<2048x1024xf32, #tpu.memory_space<hbm>> -> memref<1x1024xf32, #tpu.memory_space<hbm>>
          %dma_wait3A_260 = arith.constant 0 : i32
          %dma_wait3A_261 = tpu.memref_slice %arg4[%mul3A_2, %dma_wait3A_260] : memref<2048x1024xf32, #tpu.memory_space<hbm>> -> memref<1x1024xf32, #tpu.memory_space<hbm>>
          tpu.wait_dma2 semaphore(%arg37 : memref<!tpu.dma_semaphore, #tpu.memory_space<semaphore_mem>>) src(%arg21 : memref<1x1024xf32, #tpu.memory_space<vmem>>) dst(%dma_wait3A_261 : memref<1x1024xf32, #tpu.memory_space<hbm>>)
        } else {
        }
        %broadcast_in_dim3A = arith.constant 0 : i32
        %broadcast_in_dim3A_248 = vector.broadcast %broadcast_in_dim3A : i32 to vector<16xi32>
        %parallel_loop3A = arith.constant 0 : i32
        %parallel_loop3A_249 = arith.constant 1024 : i32
        %parallel_loop3A_250 = arith.constant 16 : i32
        scf.for %parallel_loop3A_258 = %parallel_loop3A to %parallel_loop3A_249 step %parallel_loop3A_250  : i32 {
          %parallel_loop3A_259 = arith.constant 0 : i32
          %parallel_loop3A_260 = arith.index_cast %parallel_loop3A_259 : i32 to index
          %parallel_loop3A_261 = arith.index_cast %parallel_loop3A_258 : i32 to index
          %parallel_loop3A_262 = tpu.vector_load %arg13[%parallel_loop3A_260, %parallel_loop3A_261] {strides = array<i32>} : memref<1x1024xi32, #tpu.memory_space<vmem>>, vector<16xi32>,
          %parallel_loop3A_263 = tpu.vector_load_idx %arg5[%broadcast_in_dim3A_248, %parallel_loop3A_262] : memref<1x8192xf32, #tpu.memory_space<vmem>>[vector<16xi32>, vector<16xi32>], vector<16xf32>,
          %parallel_loop3A_264 = arith.constant 0 : i32
          %parallel_loop3A_265 = arith.index_cast %parallel_loop3A_264 : i32 to index
          %parallel_loop3A_266 = arith.index_cast %parallel_loop3A_258 : i32 to index
          %parallel_loop3A_267 = tpu.vector_load %arg21[%parallel_loop3A_265, %parallel_loop3A_266] {strides = array<i32>} : memref<1x1024xf32, #tpu.memory_space<vmem>>, vector<16xf32>,
          tpu.vector_store %arg21[%parallel_loop3A_265, %parallel_loop3A_266], %parallel_loop3A_263 {strides = array<i32>} : memref<1x1024xf32, #tpu.memory_space<vmem>>, vector<16xf32>,
        } {sc.loop_unroll_factor = 4 : i64, sc.parallel_access}
        %mul3A_251 = arith.constant 1 : i32
        %mul3A_252 = arith.muli %add3A_113, %mul3A_251 : i32
        %add3A_253 = arith.addi %mul3A_2, %mul3A_252 : i32
        %dma_start3A_254 = arith.constant 0 : i32
        %dma_start3A_255 = tpu.memref_slice %arg4[%add3A_253, %dma_start3A_254] : memref<2048x1024xf32, #tpu.memory_space<hbm>> -> memref<1x1024xf32, #tpu.memory_space<hbm>>
        %dma_start3A_256 = arith.constant 0 : i32
        %dma_start3A_257 = tpu.memref_slice %arg4[%add3A_253, %dma_start3A_256] : memref<2048x1024xf32, #tpu.memory_space<hbm>> -> memref<1x1024xf32, #tpu.memory_space<hbm>>
        tpu.enqueue_dma source(%arg21 : memref<1x1024xf32, #tpu.memory_space<vmem>>) target(%dma_start3A_257 : memref<1x1024xf32, #tpu.memory_space<hbm>>) target_semaphore(%arg37 : memref<!tpu.dma_semaphore, #tpu.memory_space<semaphore_mem>>)
      } else {
      }
      %add3A_124 = arith.constant 1 : i32
      %add3A_125 = arith.addi %add3A_111, %add3A_124 : i32
      %add3A_126 = arith.constant 8 : i32
      %add3A_127 = arith.addi %add3A_125, %add3A_126 : i32
      %sub3A_128 = arith.constant 1 : i32
      %sub3A_129 = arith.subi %add3A_127, %sub3A_128 : i32
      %lt3A_130 = arith.constant 64 : i32
      %lt3A_131 = arith.cmpi slt, %sub3A_129, %lt3A_130 : i32
      %convert_element_type3A_132 = arith.extui %lt3A_131 : i1 to i32
      %cond3A_133 = arith.constant 0 : i32
      %cond3A_134 = arith.cmpi ne, %convert_element_type3A_132, %cond3A_133 : i32
      scf.if %cond3A_134 {
        %add3A_236 = arith.constant 8 : i32
        %add3A_237 = arith.addi %add3A_125, %add3A_236 : i32
        %sub3A_238 = arith.constant 1 : i32
        %sub3A_239 = arith.subi %add3A_237, %sub3A_238 : i32
        %mul3A_240 = arith.constant 1 : i32
        %mul3A_241 = arith.muli %sub3A_239, %mul3A_240 : i32
        %add3A_242 = arith.addi %mul3A_2, %mul3A_241 : i32
        %dma_start3A_243 = arith.constant 0 : i32
        %dma_start3A_244 = tpu.memref_slice %arg2[%add3A_242, %dma_start3A_243] : memref<2048x8192xf32, #tpu.memory_space<hbm>> -> memref<1x8192xf32, #tpu.memory_space<hbm>>
        %dma_start3A_245 = arith.constant 0 : i32
        %dma_start3A_246 = tpu.memref_slice %arg2[%add3A_242, %dma_start3A_245] : memref<2048x8192xf32, #tpu.memory_space<hbm>> -> memref<1x8192xf32, #tpu.memory_space<hbm>>
        tpu.enqueue_dma source(%dma_start3A_246 : memref<1x8192xf32, #tpu.memory_space<hbm>>) target(%arg5 : memref<1x8192xf32, #tpu.memory_space<vmem>>) target_semaphore(%arg29 : memref<!tpu.dma_semaphore, #tpu.memory_space<semaphore_mem>>)
        %dma_start3A_247 = arith.constant 0 : i32
        %dma_start3A_248 = tpu.memref_slice %arg3[%add3A_242, %dma_start3A_247] : memref<2048x1024xi32, #tpu.memory_space<hbm>> -> memref<1x1024xi32, #tpu.memory_space<hbm>>
        %dma_start3A_249 = arith.constant 0 : i32
        %dma_start3A_250 = tpu.memref_slice %arg3[%add3A_242, %dma_start3A_249] : memref<2048x1024xi32, #tpu.memory_space<hbm>> -> memref<1x1024xi32, #tpu.memory_space<hbm>>
        tpu.enqueue_dma source(%dma_start3A_250 : memref<1x1024xi32, #tpu.memory_space<hbm>>) target(%arg13 : memref<1x1024xi32, #tpu.memory_space<vmem>>) target_semaphore(%arg29 : memref<!tpu.dma_semaphore, #tpu.memory_space<semaphore_mem>>)
      } else {
      }
      %lt3A_135 = arith.constant 64 : i32
      %lt3A_136 = arith.cmpi slt, %add3A_125, %lt3A_135 : i32
      %convert_element_type3A_137 = arith.extui %lt3A_136 : i1 to i32
      %cond3A_138 = arith.constant 0 : i32
      %cond3A_139 = arith.cmpi ne, %convert_element_type3A_137, %cond3A_138 : i32
      scf.if %cond3A_139 {
        %dma_wait3A_236 = arith.constant 0 : i32
        %dma_wait3A_237 = tpu.memref_slice %arg2[%mul3A_2, %dma_wait3A_236] : memref<2048x8192xf32, #tpu.memory_space<hbm>> -> memref<1x8192xf32, #tpu.memory_space<hbm>>
        %dma_wait3A_238 = arith.constant 0 : i32
        %dma_wait3A_239 = tpu.memref_slice %arg2[%mul3A_2, %dma_wait3A_238] : memref<2048x8192xf32, #tpu.memory_space<hbm>> -> memref<1x8192xf32, #tpu.memory_space<hbm>>
        tpu.wait_dma2 semaphore(%arg30 : memref<!tpu.dma_semaphore, #tpu.memory_space<semaphore_mem>>) src(%dma_wait3A_239 : memref<1x8192xf32, #tpu.memory_space<hbm>>) dst(%arg6 : memref<1x8192xf32, #tpu.memory_space<vmem>>)
        %dma_wait3A_240 = arith.constant 0 : i32
        %dma_wait3A_241 = tpu.memref_slice %arg3[%mul3A_2, %dma_wait3A_240] : memref<2048x1024xi32, #tpu.memory_space<hbm>> -> memref<1x1024xi32, #tpu.memory_space<hbm>>
        %dma_wait3A_242 = arith.constant 0 : i32
        %dma_wait3A_243 = tpu.memref_slice %arg3[%mul3A_2, %dma_wait3A_242] : memref<2048x1024xi32, #tpu.memory_space<hbm>> -> memref<1x1024xi32, #tpu.memory_space<hbm>>
        tpu.wait_dma2 semaphore(%arg30 : memref<!tpu.dma_semaphore, #tpu.memory_space<semaphore_mem>>) src(%dma_wait3A_243 : memref<1x1024xi32, #tpu.memory_space<hbm>>) dst(%arg14 : memref<1x1024xi32, #tpu.memory_space<vmem>>)
        %ge3A = arith.constant 8 : i32
        %ge3A_244 = arith.cmpi sge, %add3A_125, %ge3A : i32
        %convert_element_type3A_245 = arith.extui %ge3A_244 : i1 to i32
        %cond3A_246 = arith.constant 0 : i32
        %cond3A_247 = arith.cmpi ne, %convert_element_type3A_245, %cond3A_246 : i32
        scf.if %cond3A_247 {
          %dma_wait3A_258 = arith.constant 0 : i32
          %dma_wait3A_259 = tpu.memref_slice %arg4[%mul3A_2, %dma_wait3A_258] : memref<2048x1024xf32, #tpu.memory_space<hbm>> -> memref<1x1024xf32, #tpu.memory_space<hbm>>
          %dma_wait3A_260 = arith.constant 0 : i32
          %dma_wait3A_261 = tpu.memref_slice %arg4[%mul3A_2, %dma_wait3A_260] : memref<2048x1024xf32, #tpu.memory_space<hbm>> -> memref<1x1024xf32, #tpu.memory_space<hbm>>
          tpu.wait_dma2 semaphore(%arg38 : memref<!tpu.dma_semaphore, #tpu.memory_space<semaphore_mem>>) src(%arg22 : memref<1x1024xf32, #tpu.memory_space<vmem>>) dst(%dma_wait3A_261 : memref<1x1024xf32, #tpu.memory_space<hbm>>)
        } else {
        }
        %broadcast_in_dim3A = arith.constant 0 : i32
        %broadcast_in_dim3A_248 = vector.broadcast %broadcast_in_dim3A : i32 to vector<16xi32>
        %parallel_loop3A = arith.constant 0 : i32
        %parallel_loop3A_249 = arith.constant 1024 : i32
        %parallel_loop3A_250 = arith.constant 16 : i32
        scf.for %parallel_loop3A_258 = %parallel_loop3A to %parallel_loop3A_249 step %parallel_loop3A_250  : i32 {
          %parallel_loop3A_259 = arith.constant 0 : i32
          %parallel_loop3A_260 = arith.index_cast %parallel_loop3A_259 : i32 to index
          %parallel_loop3A_261 = arith.index_cast %parallel_loop3A_258 : i32 to index
          %parallel_loop3A_262 = tpu.vector_load %arg14[%parallel_loop3A_260, %parallel_loop3A_261] {strides = array<i32>} : memref<1x1024xi32, #tpu.memory_space<vmem>>, vector<16xi32>,
          %parallel_loop3A_263 = tpu.vector_load_idx %arg6[%broadcast_in_dim3A_248, %parallel_loop3A_262] : memref<1x8192xf32, #tpu.memory_space<vmem>>[vector<16xi32>, vector<16xi32>], vector<16xf32>,
          %parallel_loop3A_264 = arith.constant 0 : i32
          %parallel_loop3A_265 = arith.index_cast %parallel_loop3A_264 : i32 to index
          %parallel_loop3A_266 = arith.index_cast %parallel_loop3A_258 : i32 to index
          %parallel_loop3A_267 = tpu.vector_load %arg22[%parallel_loop3A_265, %parallel_loop3A_266] {strides = array<i32>} : memref<1x1024xf32, #tpu.memory_space<vmem>>, vector<16xf32>,
          tpu.vector_store %arg22[%parallel_loop3A_265, %parallel_loop3A_266], %parallel_loop3A_263 {strides = array<i32>} : memref<1x1024xf32, #tpu.memory_space<vmem>>, vector<16xf32>,
        } {sc.loop_unroll_factor = 4 : i64, sc.parallel_access}
        %mul3A_251 = arith.constant 1 : i32
        %mul3A_252 = arith.muli %add3A_125, %mul3A_251 : i32
        %add3A_253 = arith.addi %mul3A_2, %mul3A_252 : i32
        %dma_start3A_254 = arith.constant 0 : i32
        %dma_start3A_255 = tpu.memref_slice %arg4[%add3A_253, %dma_start3A_254] : memref<2048x1024xf32, #tpu.memory_space<hbm>> -> memref<1x1024xf32, #tpu.memory_space<hbm>>
        %dma_start3A_256 = arith.constant 0 : i32
        %dma_start3A_257 = tpu.memref_slice %arg4[%add3A_253, %dma_start3A_256] : memref<2048x1024xf32, #tpu.memory_space<hbm>> -> memref<1x1024xf32, #tpu.memory_space<hbm>>
        tpu.enqueue_dma source(%arg22 : memref<1x1024xf32, #tpu.memory_space<vmem>>) target(%dma_start3A_257 : memref<1x1024xf32, #tpu.memory_space<hbm>>) target_semaphore(%arg38 : memref<!tpu.dma_semaphore, #tpu.memory_space<semaphore_mem>>)
      } else {
      }
      %add3A_140 = arith.constant 2 : i32
      %add3A_141 = arith.addi %add3A_111, %add3A_140 : i32
      %add3A_142 = arith.constant 8 : i32
      %add3A_143 = arith.addi %add3A_141, %add3A_142 : i32
      %sub3A_144 = arith.constant 1 : i32
      %sub3A_145 = arith.subi %add3A_143, %sub3A_144 : i32
      %lt3A_146 = arith.constant 64 : i32
      %lt3A_147 = arith.cmpi slt, %sub3A_145, %lt3A_146 : i32
      %convert_element_type3A_148 = arith.extui %lt3A_147 : i1 to i32
      %cond3A_149 = arith.constant 0 : i32
      %cond3A_150 = arith.cmpi ne, %convert_element_type3A_148, %cond3A_149 : i32
      scf.if %cond3A_150 {
        %add3A_236 = arith.constant 8 : i32
        %add3A_237 = arith.addi %add3A_141, %add3A_236 : i32
        %sub3A_238 = arith.constant 1 : i32
        %sub3A_239 = arith.subi %add3A_237, %sub3A_238 : i32
        %mul3A_240 = arith.constant 1 : i32
        %mul3A_241 = arith.muli %sub3A_239, %mul3A_240 : i32
        %add3A_242 = arith.addi %mul3A_2, %mul3A_241 : i32
        %dma_start3A_243 = arith.constant 0 : i32
        %dma_start3A_244 = tpu.memref_slice %arg2[%add3A_242, %dma_start3A_243] : memref<2048x8192xf32, #tpu.memory_space<hbm>> -> memref<1x8192xf32, #tpu.memory_space<hbm>>
        %dma_start3A_245 = arith.constant 0 : i32
        %dma_start3A_246 = tpu.memref_slice %arg2[%add3A_242, %dma_start3A_245] : memref<2048x8192xf32, #tpu.memory_space<hbm>> -> memref<1x8192xf32, #tpu.memory_space<hbm>>
        tpu.enqueue_dma source(%dma_start3A_246 : memref<1x8192xf32, #tpu.memory_space<hbm>>) target(%arg6 : memref<1x8192xf32, #tpu.memory_space<vmem>>) target_semaphore(%arg30 : memref<!tpu.dma_semaphore, #tpu.memory_space<semaphore_mem>>)
        %dma_start3A_247 = arith.constant 0 : i32
        %dma_start3A_248 = tpu.memref_slice %arg3[%add3A_242, %dma_start3A_247] : memref<2048x1024xi32, #tpu.memory_space<hbm>> -> memref<1x1024xi32, #tpu.memory_space<hbm>>
        %dma_start3A_249 = arith.constant 0 : i32
        %dma_start3A_250 = tpu.memref_slice %arg3[%add3A_242, %dma_start3A_249] : memref<2048x1024xi32, #tpu.memory_space<hbm>> -> memref<1x1024xi32, #tpu.memory_space<hbm>>
        tpu.enqueue_dma source(%dma_start3A_250 : memref<1x1024xi32, #tpu.memory_space<hbm>>) target(%arg14 : memref<1x1024xi32, #tpu.memory_space<vmem>>) target_semaphore(%arg30 : memref<!tpu.dma_semaphore, #tpu.memory_space<semaphore_mem>>)
      } else {
      }
      %lt3A_151 = arith.constant 64 : i32
      %lt3A_152 = arith.cmpi slt, %add3A_141, %lt3A_151 : i32
      %convert_element_type3A_153 = arith.extui %lt3A_152 : i1 to i32
      %cond3A_154 = arith.constant 0 : i32
      %cond3A_155 = arith.cmpi ne, %convert_element_type3A_153, %cond3A_154 : i32
      scf.if %cond3A_155 {
        %dma_wait3A_236 = arith.constant 0 : i32
        %dma_wait3A_237 = tpu.memref_slice %arg2[%mul3A_2, %dma_wait3A_236] : memref<2048x8192xf32, #tpu.memory_space<hbm>> -> memref<1x8192xf32, #tpu.memory_space<hbm>>
        %dma_wait3A_238 = arith.constant 0 : i32
        %dma_wait3A_239 = tpu.memref_slice %arg2[%mul3A_2, %dma_wait3A_238] : memref<2048x8192xf32, #tpu.memory_space<hbm>> -> memref<1x8192xf32, #tpu.memory_space<hbm>>
        tpu.wait_dma2 semaphore(%arg31 : memref<!tpu.dma_semaphore, #tpu.memory_space<semaphore_mem>>) src(%dma_wait3A_239 : memref<1x8192xf32, #tpu.memory_space<hbm>>) dst(%arg7 : memref<1x8192xf32, #tpu.memory_space<vmem>>)
        %dma_wait3A_240 = arith.constant 0 : i32
        %dma_wait3A_241 = tpu.memref_slice %arg3[%mul3A_2, %dma_wait3A_240] : memref<2048x1024xi32, #tpu.memory_space<hbm>> -> memref<1x1024xi32, #tpu.memory_space<hbm>>
        %dma_wait3A_242 = arith.constant 0 : i32
        %dma_wait3A_243 = tpu.memref_slice %arg3[%mul3A_2, %dma_wait3A_242] : memref<2048x1024xi32, #tpu.memory_space<hbm>> -> memref<1x1024xi32, #tpu.memory_space<hbm>>
        tpu.wait_dma2 semaphore(%arg31 : memref<!tpu.dma_semaphore, #tpu.memory_space<semaphore_mem>>) src(%dma_wait3A_243 : memref<1x1024xi32, #tpu.memory_space<hbm>>) dst(%arg15 : memref<1x1024xi32, #tpu.memory_space<vmem>>)
        %ge3A = arith.constant 8 : i32
        %ge3A_244 = arith.cmpi sge, %add3A_141, %ge3A : i32
        %convert_element_type3A_245 = arith.extui %ge3A_244 : i1 to i32
        %cond3A_246 = arith.constant 0 : i32
        %cond3A_247 = arith.cmpi ne, %convert_element_type3A_245, %cond3A_246 : i32
        scf.if %cond3A_247 {
          %dma_wait3A_258 = arith.constant 0 : i32
          %dma_wait3A_259 = tpu.memref_slice %arg4[%mul3A_2, %dma_wait3A_258] : memref<2048x1024xf32, #tpu.memory_space<hbm>> -> memref<1x1024xf32, #tpu.memory_space<hbm>>
          %dma_wait3A_260 = arith.constant 0 : i32
          %dma_wait3A_261 = tpu.memref_slice %arg4[%mul3A_2, %dma_wait3A_260] : memref<2048x1024xf32, #tpu.memory_space<hbm>> -> memref<1x1024xf32, #tpu.memory_space<hbm>>
          tpu.wait_dma2 semaphore(%arg39 : memref<!tpu.dma_semaphore, #tpu.memory_space<semaphore_mem>>) src(%arg23 : memref<1x1024xf32, #tpu.memory_space<vmem>>) dst(%dma_wait3A_261 : memref<1x1024xf32, #tpu.memory_space<hbm>>)
        } else {
        }
        %broadcast_in_dim3A = arith.constant 0 : i32
        %broadcast_in_dim3A_248 = vector.broadcast %broadcast_in_dim3A : i32 to vector<16xi32>
        %parallel_loop3A = arith.constant 0 : i32
        %parallel_loop3A_249 = arith.constant 1024 : i32
        %parallel_loop3A_250 = arith.constant 16 : i32
        scf.for %parallel_loop3A_258 = %parallel_loop3A to %parallel_loop3A_249 step %parallel_loop3A_250  : i32 {
          %parallel_loop3A_259 = arith.constant 0 : i32
          %parallel_loop3A_260 = arith.index_cast %parallel_loop3A_259 : i32 to index
          %parallel_loop3A_261 = arith.index_cast %parallel_loop3A_258 : i32 to index
          %parallel_loop3A_262 = tpu.vector_load %arg15[%parallel_loop3A_260, %parallel_loop3A_261] {strides = array<i32>} : memref<1x1024xi32, #tpu.memory_space<vmem>>, vector<16xi32>,
          %parallel_loop3A_263 = tpu.vector_load_idx %arg7[%broadcast_in_dim3A_248, %parallel_loop3A_262] : memref<1x8192xf32, #tpu.memory_space<vmem>>[vector<16xi32>, vector<16xi32>], vector<16xf32>,
          %parallel_loop3A_264 = arith.constant 0 : i32
          %parallel_loop3A_265 = arith.index_cast %parallel_loop3A_264 : i32 to index
          %parallel_loop3A_266 = arith.index_cast %parallel_loop3A_258 : i32 to index
          %parallel_loop3A_267 = tpu.vector_load %arg23[%parallel_loop3A_265, %parallel_loop3A_266] {strides = array<i32>} : memref<1x1024xf32, #tpu.memory_space<vmem>>, vector<16xf32>,
          tpu.vector_store %arg23[%parallel_loop3A_265, %parallel_loop3A_266], %parallel_loop3A_263 {strides = array<i32>} : memref<1x1024xf32, #tpu.memory_space<vmem>>, vector<16xf32>,
        } {sc.loop_unroll_factor = 4 : i64, sc.parallel_access}
        %mul3A_251 = arith.constant 1 : i32
        %mul3A_252 = arith.muli %add3A_141, %mul3A_251 : i32
        %add3A_253 = arith.addi %mul3A_2, %mul3A_252 : i32
        %dma_start3A_254 = arith.constant 0 : i32
        %dma_start3A_255 = tpu.memref_slice %arg4[%add3A_253, %dma_start3A_254] : memref<2048x1024xf32, #tpu.memory_space<hbm>> -> memref<1x1024xf32, #tpu.memory_space<hbm>>
        %dma_start3A_256 = arith.constant 0 : i32
        %dma_start3A_257 = tpu.memref_slice %arg4[%add3A_253, %dma_start3A_256] : memref<2048x1024xf32, #tpu.memory_space<hbm>> -> memref<1x1024xf32, #tpu.memory_space<hbm>>
        tpu.enqueue_dma source(%arg23 : memref<1x1024xf32, #tpu.memory_space<vmem>>) target(%dma_start3A_257 : memref<1x1024xf32, #tpu.memory_space<hbm>>) target_semaphore(%arg39 : memref<!tpu.dma_semaphore, #tpu.memory_space<semaphore_mem>>)
      } else {
      }
      %add3A_156 = arith.constant 3 : i32
      %add3A_157 = arith.addi %add3A_111, %add3A_156 : i32
      %add3A_158 = arith.constant 8 : i32
      %add3A_159 = arith.addi %add3A_157, %add3A_158 : i32
      %sub3A_160 = arith.constant 1 : i32
      %sub3A_161 = arith.subi %add3A_159, %sub3A_160 : i32
      %lt3A_162 = arith.constant 64 : i32
      %lt3A_163 = arith.cmpi slt, %sub3A_161, %lt3A_162 : i32
      %convert_element_type3A_164 = arith.extui %lt3A_163 : i1 to i32
      %cond3A_165 = arith.constant 0 : i32
      %cond3A_166 = arith.cmpi ne, %convert_element_type3A_164, %cond3A_165 : i32
      scf.if %cond3A_166 {
        %add3A_236 = arith.constant 8 : i32
        %add3A_237 = arith.addi %add3A_157, %add3A_236 : i32
        %sub3A_238 = arith.constant 1 : i32
        %sub3A_239 = arith.subi %add3A_237, %sub3A_238 : i32
        %mul3A_240 = arith.constant 1 : i32
        %mul3A_241 = arith.muli %sub3A_239, %mul3A_240 : i32
        %add3A_242 = arith.addi %mul3A_2, %mul3A_241 : i32
        %dma_start3A_243 = arith.constant 0 : i32
        %dma_start3A_244 = tpu.memref_slice %arg2[%add3A_242, %dma_start3A_243] : memref<2048x8192xf32, #tpu.memory_space<hbm>> -> memref<1x8192xf32, #tpu.memory_space<hbm>>
        %dma_start3A_245 = arith.constant 0 : i32
        %dma_start3A_246 = tpu.memref_slice %arg2[%add3A_242, %dma_start3A_245] : memref<2048x8192xf32, #tpu.memory_space<hbm>> -> memref<1x8192xf32, #tpu.memory_space<hbm>>
        tpu.enqueue_dma source(%dma_start3A_246 : memref<1x8192xf32, #tpu.memory_space<hbm>>) target(%arg7 : memref<1x8192xf32, #tpu.memory_space<vmem>>) target_semaphore(%arg31 : memref<!tpu.dma_semaphore, #tpu.memory_space<semaphore_mem>>)
        %dma_start3A_247 = arith.constant 0 : i32
        %dma_start3A_248 = tpu.memref_slice %arg3[%add3A_242, %dma_start3A_247] : memref<2048x1024xi32, #tpu.memory_space<hbm>> -> memref<1x1024xi32, #tpu.memory_space<hbm>>
        %dma_start3A_249 = arith.constant 0 : i32
        %dma_start3A_250 = tpu.memref_slice %arg3[%add3A_242, %dma_start3A_249] : memref<2048x1024xi32, #tpu.memory_space<hbm>> -> memref<1x1024xi32, #tpu.memory_space<hbm>>
        tpu.enqueue_dma source(%dma_start3A_250 : memref<1x1024xi32, #tpu.memory_space<hbm>>) target(%arg15 : memref<1x1024xi32, #tpu.memory_space<vmem>>) target_semaphore(%arg31 : memref<!tpu.dma_semaphore, #tpu.memory_space<semaphore_mem>>)
      } else {
      }
      %lt3A_167 = arith.constant 64 : i32
      %lt3A_168 = arith.cmpi slt, %add3A_157, %lt3A_167 : i32
      %convert_element_type3A_169 = arith.extui %lt3A_168 : i1 to i32
      %cond3A_170 = arith.constant 0 : i32
      %cond3A_171 = arith.cmpi ne, %convert_element_type3A_169, %cond3A_170 : i32
      scf.if %cond3A_171 {
        %dma_wait3A_236 = arith.constant 0 : i32
        %dma_wait3A_237 = tpu.memref_slice %arg2[%mul3A_2, %dma_wait3A_236] : memref<2048x8192xf32, #tpu.memory_space<hbm>> -> memref<1x8192xf32, #tpu.memory_space<hbm>>
        %dma_wait3A_238 = arith.constant 0 : i32
        %dma_wait3A_239 = tpu.memref_slice %arg2[%mul3A_2, %dma_wait3A_238] : memref<2048x8192xf32, #tpu.memory_space<hbm>> -> memref<1x8192xf32, #tpu.memory_space<hbm>>
        tpu.wait_dma2 semaphore(%arg32 : memref<!tpu.dma_semaphore, #tpu.memory_space<semaphore_mem>>) src(%dma_wait3A_239 : memref<1x8192xf32, #tpu.memory_space<hbm>>) dst(%arg8 : memref<1x8192xf32, #tpu.memory_space<vmem>>)
        %dma_wait3A_240 = arith.constant 0 : i32
        %dma_wait3A_241 = tpu.memref_slice %arg3[%mul3A_2, %dma_wait3A_240] : memref<2048x1024xi32, #tpu.memory_space<hbm>> -> memref<1x1024xi32, #tpu.memory_space<hbm>>
        %dma_wait3A_242 = arith.constant 0 : i32
        %dma_wait3A_243 = tpu.memref_slice %arg3[%mul3A_2, %dma_wait3A_242] : memref<2048x1024xi32, #tpu.memory_space<hbm>> -> memref<1x1024xi32, #tpu.memory_space<hbm>>
        tpu.wait_dma2 semaphore(%arg32 : memref<!tpu.dma_semaphore, #tpu.memory_space<semaphore_mem>>) src(%dma_wait3A_243 : memref<1x1024xi32, #tpu.memory_space<hbm>>) dst(%arg16 : memref<1x1024xi32, #tpu.memory_space<vmem>>)
        %ge3A = arith.constant 8 : i32
        %ge3A_244 = arith.cmpi sge, %add3A_157, %ge3A : i32
        %convert_element_type3A_245 = arith.extui %ge3A_244 : i1 to i32
        %cond3A_246 = arith.constant 0 : i32
        %cond3A_247 = arith.cmpi ne, %convert_element_type3A_245, %cond3A_246 : i32
        scf.if %cond3A_247 {
          %dma_wait3A_258 = arith.constant 0 : i32
          %dma_wait3A_259 = tpu.memref_slice %arg4[%mul3A_2, %dma_wait3A_258] : memref<2048x1024xf32, #tpu.memory_space<hbm>> -> memref<1x1024xf32, #tpu.memory_space<hbm>>
          %dma_wait3A_260 = arith.constant 0 : i32
          %dma_wait3A_261 = tpu.memref_slice %arg4[%mul3A_2, %dma_wait3A_260] : memref<2048x1024xf32, #tpu.memory_space<hbm>> -> memref<1x1024xf32, #tpu.memory_space<hbm>>
          tpu.wait_dma2 semaphore(%arg40 : memref<!tpu.dma_semaphore, #tpu.memory_space<semaphore_mem>>) src(%arg24 : memref<1x1024xf32, #tpu.memory_space<vmem>>) dst(%dma_wait3A_261 : memref<1x1024xf32, #tpu.memory_space<hbm>>)
        } else {
        }
        %broadcast_in_dim3A = arith.constant 0 : i32
        %broadcast_in_dim3A_248 = vector.broadcast %broadcast_in_dim3A : i32 to vector<16xi32>
        %parallel_loop3A = arith.constant 0 : i32
        %parallel_loop3A_249 = arith.constant 1024 : i32
        %parallel_loop3A_250 = arith.constant 16 : i32
        scf.for %parallel_loop3A_258 = %parallel_loop3A to %parallel_loop3A_249 step %parallel_loop3A_250  : i32 {
          %parallel_loop3A_259 = arith.constant 0 : i32
          %parallel_loop3A_260 = arith.index_cast %parallel_loop3A_259 : i32 to index
          %parallel_loop3A_261 = arith.index_cast %parallel_loop3A_258 : i32 to index
          %parallel_loop3A_262 = tpu.vector_load %arg16[%parallel_loop3A_260, %parallel_loop3A_261] {strides = array<i32>} : memref<1x1024xi32, #tpu.memory_space<vmem>>, vector<16xi32>,
          %parallel_loop3A_263 = tpu.vector_load_idx %arg8[%broadcast_in_dim3A_248, %parallel_loop3A_262] : memref<1x8192xf32, #tpu.memory_space<vmem>>[vector<16xi32>, vector<16xi32>], vector<16xf32>,
          %parallel_loop3A_264 = arith.constant 0 : i32
          %parallel_loop3A_265 = arith.index_cast %parallel_loop3A_264 : i32 to index
          %parallel_loop3A_266 = arith.index_cast %parallel_loop3A_258 : i32 to index
          %parallel_loop3A_267 = tpu.vector_load %arg24[%parallel_loop3A_265, %parallel_loop3A_266] {strides = array<i32>} : memref<1x1024xf32, #tpu.memory_space<vmem>>, vector<16xf32>,
          tpu.vector_store %arg24[%parallel_loop3A_265, %parallel_loop3A_266], %parallel_loop3A_263 {strides = array<i32>} : memref<1x1024xf32, #tpu.memory_space<vmem>>, vector<16xf32>,
        } {sc.loop_unroll_factor = 4 : i64, sc.parallel_access}
        %mul3A_251 = arith.constant 1 : i32
        %mul3A_252 = arith.muli %add3A_157, %mul3A_251 : i32
        %add3A_253 = arith.addi %mul3A_2, %mul3A_252 : i32
        %dma_start3A_254 = arith.constant 0 : i32
        %dma_start3A_255 = tpu.memref_slice %arg4[%add3A_253, %dma_start3A_254] : memref<2048x1024xf32, #tpu.memory_space<hbm>> -> memref<1x1024xf32, #tpu.memory_space<hbm>>
        %dma_start3A_256 = arith.constant 0 : i32
        %dma_start3A_257 = tpu.memref_slice %arg4[%add3A_253, %dma_start3A_256] : memref<2048x1024xf32, #tpu.memory_space<hbm>> -> memref<1x1024xf32, #tpu.memory_space<hbm>>
        tpu.enqueue_dma source(%arg24 : memref<1x1024xf32, #tpu.memory_space<vmem>>) target(%dma_start3A_257 : memref<1x1024xf32, #tpu.memory_space<hbm>>) target_semaphore(%arg40 : memref<!tpu.dma_semaphore, #tpu.memory_space<semaphore_mem>>)
      } else {
      }
      %add3A_172 = arith.constant 4 : i32
      %add3A_173 = arith.addi %add3A_111, %add3A_172 : i32
      %add3A_174 = arith.constant 8 : i32
      %add3A_175 = arith.addi %add3A_173, %add3A_174 : i32
      %sub3A_176 = arith.constant 1 : i32
      %sub3A_177 = arith.subi %add3A_175, %sub3A_176 : i32
      %lt3A_178 = arith.constant 64 : i32
      %lt3A_179 = arith.cmpi slt, %sub3A_177, %lt3A_178 : i32
      %convert_element_type3A_180 = arith.extui %lt3A_179 : i1 to i32
      %cond3A_181 = arith.constant 0 : i32
      %cond3A_182 = arith.cmpi ne, %convert_element_type3A_180, %cond3A_181 : i32
      scf.if %cond3A_182 {
        %add3A_236 = arith.constant 8 : i32
        %add3A_237 = arith.addi %add3A_173, %add3A_236 : i32
        %sub3A_238 = arith.constant 1 : i32
        %sub3A_239 = arith.subi %add3A_237, %sub3A_238 : i32
        %mul3A_240 = arith.constant 1 : i32
        %mul3A_241 = arith.muli %sub3A_239, %mul3A_240 : i32
        %add3A_242 = arith.addi %mul3A_2, %mul3A_241 : i32
        %dma_start3A_243 = arith.constant 0 : i32
        %dma_start3A_244 = tpu.memref_slice %arg2[%add3A_242, %dma_start3A_243] : memref<2048x8192xf32, #tpu.memory_space<hbm>> -> memref<1x8192xf32, #tpu.memory_space<hbm>>
        %dma_start3A_245 = arith.constant 0 : i32
        %dma_start3A_246 = tpu.memref_slice %arg2[%add3A_242, %dma_start3A_245] : memref<2048x8192xf32, #tpu.memory_space<hbm>> -> memref<1x8192xf32, #tpu.memory_space<hbm>>
        tpu.enqueue_dma source(%dma_start3A_246 : memref<1x8192xf32, #tpu.memory_space<hbm>>) target(%arg8 : memref<1x8192xf32, #tpu.memory_space<vmem>>) target_semaphore(%arg32 : memref<!tpu.dma_semaphore, #tpu.memory_space<semaphore_mem>>)
        %dma_start3A_247 = arith.constant 0 : i32
        %dma_start3A_248 = tpu.memref_slice %arg3[%add3A_242, %dma_start3A_247] : memref<2048x1024xi32, #tpu.memory_space<hbm>> -> memref<1x1024xi32, #tpu.memory_space<hbm>>
        %dma_start3A_249 = arith.constant 0 : i32
        %dma_start3A_250 = tpu.memref_slice %arg3[%add3A_242, %dma_start3A_249] : memref<2048x1024xi32, #tpu.memory_space<hbm>> -> memref<1x1024xi32, #tpu.memory_space<hbm>>
        tpu.enqueue_dma source(%dma_start3A_250 : memref<1x1024xi32, #tpu.memory_space<hbm>>) target(%arg16 : memref<1x1024xi32, #tpu.memory_space<vmem>>) target_semaphore(%arg32 : memref<!tpu.dma_semaphore, #tpu.memory_space<semaphore_mem>>)
      } else {
      }
      %lt3A_183 = arith.constant 64 : i32
      %lt3A_184 = arith.cmpi slt, %add3A_173, %lt3A_183 : i32
      %convert_element_type3A_185 = arith.extui %lt3A_184 : i1 to i32
      %cond3A_186 = arith.constant 0 : i32
      %cond3A_187 = arith.cmpi ne, %convert_element_type3A_185, %cond3A_186 : i32
      scf.if %cond3A_187 {
        %dma_wait3A_236 = arith.constant 0 : i32
        %dma_wait3A_237 = tpu.memref_slice %arg2[%mul3A_2, %dma_wait3A_236] : memref<2048x8192xf32, #tpu.memory_space<hbm>> -> memref<1x8192xf32, #tpu.memory_space<hbm>>
        %dma_wait3A_238 = arith.constant 0 : i32
        %dma_wait3A_239 = tpu.memref_slice %arg2[%mul3A_2, %dma_wait3A_238] : memref<2048x8192xf32, #tpu.memory_space<hbm>> -> memref<1x8192xf32, #tpu.memory_space<hbm>>
        tpu.wait_dma2 semaphore(%arg33 : memref<!tpu.dma_semaphore, #tpu.memory_space<semaphore_mem>>) src(%dma_wait3A_239 : memref<1x8192xf32, #tpu.memory_space<hbm>>) dst(%arg9 : memref<1x8192xf32, #tpu.memory_space<vmem>>)
        %dma_wait3A_240 = arith.constant 0 : i32
        %dma_wait3A_241 = tpu.memref_slice %arg3[%mul3A_2, %dma_wait3A_240] : memref<2048x1024xi32, #tpu.memory_space<hbm>> -> memref<1x1024xi32, #tpu.memory_space<hbm>>
        %dma_wait3A_242 = arith.constant 0 : i32
        %dma_wait3A_243 = tpu.memref_slice %arg3[%mul3A_2, %dma_wait3A_242] : memref<2048x1024xi32, #tpu.memory_space<hbm>> -> memref<1x1024xi32, #tpu.memory_space<hbm>>
        tpu.wait_dma2 semaphore(%arg33 : memref<!tpu.dma_semaphore, #tpu.memory_space<semaphore_mem>>) src(%dma_wait3A_243 : memref<1x1024xi32, #tpu.memory_space<hbm>>) dst(%arg17 : memref<1x1024xi32, #tpu.memory_space<vmem>>)
        %ge3A = arith.constant 8 : i32
        %ge3A_244 = arith.cmpi sge, %add3A_173, %ge3A : i32
        %convert_element_type3A_245 = arith.extui %ge3A_244 : i1 to i32
        %cond3A_246 = arith.constant 0 : i32
        %cond3A_247 = arith.cmpi ne, %convert_element_type3A_245, %cond3A_246 : i32
        scf.if %cond3A_247 {
          %dma_wait3A_258 = arith.constant 0 : i32
          %dma_wait3A_259 = tpu.memref_slice %arg4[%mul3A_2, %dma_wait3A_258] : memref<2048x1024xf32, #tpu.memory_space<hbm>> -> memref<1x1024xf32, #tpu.memory_space<hbm>>
          %dma_wait3A_260 = arith.constant 0 : i32
          %dma_wait3A_261 = tpu.memref_slice %arg4[%mul3A_2, %dma_wait3A_260] : memref<2048x1024xf32, #tpu.memory_space<hbm>> -> memref<1x1024xf32, #tpu.memory_space<hbm>>
          tpu.wait_dma2 semaphore(%arg41 : memref<!tpu.dma_semaphore, #tpu.memory_space<semaphore_mem>>) src(%arg25 : memref<1x1024xf32, #tpu.memory_space<vmem>>) dst(%dma_wait3A_261 : memref<1x1024xf32, #tpu.memory_space<hbm>>)
        } else {
        }
        %broadcast_in_dim3A = arith.constant 0 : i32
        %broadcast_in_dim3A_248 = vector.broadcast %broadcast_in_dim3A : i32 to vector<16xi32>
        %parallel_loop3A = arith.constant 0 : i32
        %parallel_loop3A_249 = arith.constant 1024 : i32
        %parallel_loop3A_250 = arith.constant 16 : i32
        scf.for %parallel_loop3A_258 = %parallel_loop3A to %parallel_loop3A_249 step %parallel_loop3A_250  : i32 {
          %parallel_loop3A_259 = arith.constant 0 : i32
          %parallel_loop3A_260 = arith.index_cast %parallel_loop3A_259 : i32 to index
          %parallel_loop3A_261 = arith.index_cast %parallel_loop3A_258 : i32 to index
          %parallel_loop3A_262 = tpu.vector_load %arg17[%parallel_loop3A_260, %parallel_loop3A_261] {strides = array<i32>} : memref<1x1024xi32, #tpu.memory_space<vmem>>, vector<16xi32>,
          %parallel_loop3A_263 = tpu.vector_load_idx %arg9[%broadcast_in_dim3A_248, %parallel_loop3A_262] : memref<1x8192xf32, #tpu.memory_space<vmem>>[vector<16xi32>, vector<16xi32>], vector<16xf32>,
          %parallel_loop3A_264 = arith.constant 0 : i32
          %parallel_loop3A_265 = arith.index_cast %parallel_loop3A_264 : i32 to index
          %parallel_loop3A_266 = arith.index_cast %parallel_loop3A_258 : i32 to index
          %parallel_loop3A_267 = tpu.vector_load %arg25[%parallel_loop3A_265, %parallel_loop3A_266] {strides = array<i32>} : memref<1x1024xf32, #tpu.memory_space<vmem>>, vector<16xf32>,
          tpu.vector_store %arg25[%parallel_loop3A_265, %parallel_loop3A_266], %parallel_loop3A_263 {strides = array<i32>} : memref<1x1024xf32, #tpu.memory_space<vmem>>, vector<16xf32>,
        } {sc.loop_unroll_factor = 4 : i64, sc.parallel_access}
        %mul3A_251 = arith.constant 1 : i32
        %mul3A_252 = arith.muli %add3A_173, %mul3A_251 : i32
        %add3A_253 = arith.addi %mul3A_2, %mul3A_252 : i32
        %dma_start3A_254 = arith.constant 0 : i32
        %dma_start3A_255 = tpu.memref_slice %arg4[%add3A_253, %dma_start3A_254] : memref<2048x1024xf32, #tpu.memory_space<hbm>> -> memref<1x1024xf32, #tpu.memory_space<hbm>>
        %dma_start3A_256 = arith.constant 0 : i32
        %dma_start3A_257 = tpu.memref_slice %arg4[%add3A_253, %dma_start3A_256] : memref<2048x1024xf32, #tpu.memory_space<hbm>> -> memref<1x1024xf32, #tpu.memory_space<hbm>>
        tpu.enqueue_dma source(%arg25 : memref<1x1024xf32, #tpu.memory_space<vmem>>) target(%dma_start3A_257 : memref<1x1024xf32, #tpu.memory_space<hbm>>) target_semaphore(%arg41 : memref<!tpu.dma_semaphore, #tpu.memory_space<semaphore_mem>>)
      } else {
      }
      %add3A_188 = arith.constant 5 : i32
      %add3A_189 = arith.addi %add3A_111, %add3A_188 : i32
      %add3A_190 = arith.constant 8 : i32
      %add3A_191 = arith.addi %add3A_189, %add3A_190 : i32
      %sub3A_192 = arith.constant 1 : i32
      %sub3A_193 = arith.subi %add3A_191, %sub3A_192 : i32
      %lt3A_194 = arith.constant 64 : i32
      %lt3A_195 = arith.cmpi slt, %sub3A_193, %lt3A_194 : i32
      %convert_element_type3A_196 = arith.extui %lt3A_195 : i1 to i32
      %cond3A_197 = arith.constant 0 : i32
      %cond3A_198 = arith.cmpi ne, %convert_element_type3A_196, %cond3A_197 : i32
      scf.if %cond3A_198 {
        %add3A_236 = arith.constant 8 : i32
        %add3A_237 = arith.addi %add3A_189, %add3A_236 : i32
        %sub3A_238 = arith.constant 1 : i32
        %sub3A_239 = arith.subi %add3A_237, %sub3A_238 : i32
        %mul3A_240 = arith.constant 1 : i32
        %mul3A_241 = arith.muli %sub3A_239, %mul3A_240 : i32
        %add3A_242 = arith.addi %mul3A_2, %mul3A_241 : i32
        %dma_start3A_243 = arith.constant 0 : i32
        %dma_start3A_244 = tpu.memref_slice %arg2[%add3A_242, %dma_start3A_243] : memref<2048x8192xf32, #tpu.memory_space<hbm>> -> memref<1x8192xf32, #tpu.memory_space<hbm>>
        %dma_start3A_245 = arith.constant 0 : i32
        %dma_start3A_246 = tpu.memref_slice %arg2[%add3A_242, %dma_start3A_245] : memref<2048x8192xf32, #tpu.memory_space<hbm>> -> memref<1x8192xf32, #tpu.memory_space<hbm>>
        tpu.enqueue_dma source(%dma_start3A_246 : memref<1x8192xf32, #tpu.memory_space<hbm>>) target(%arg9 : memref<1x8192xf32, #tpu.memory_space<vmem>>) target_semaphore(%arg33 : memref<!tpu.dma_semaphore, #tpu.memory_space<semaphore_mem>>)
        %dma_start3A_247 = arith.constant 0 : i32
        %dma_start3A_248 = tpu.memref_slice %arg3[%add3A_242, %dma_start3A_247] : memref<2048x1024xi32, #tpu.memory_space<hbm>> -> memref<1x1024xi32, #tpu.memory_space<hbm>>
        %dma_start3A_249 = arith.constant 0 : i32
        %dma_start3A_250 = tpu.memref_slice %arg3[%add3A_242, %dma_start3A_249] : memref<2048x1024xi32, #tpu.memory_space<hbm>> -> memref<1x1024xi32, #tpu.memory_space<hbm>>
        tpu.enqueue_dma source(%dma_start3A_250 : memref<1x1024xi32, #tpu.memory_space<hbm>>) target(%arg17 : memref<1x1024xi32, #tpu.memory_space<vmem>>) target_semaphore(%arg33 : memref<!tpu.dma_semaphore, #tpu.memory_space<semaphore_mem>>)
      } else {
      }
      %lt3A_199 = arith.constant 64 : i32
      %lt3A_200 = arith.cmpi slt, %add3A_189, %lt3A_199 : i32
      %convert_element_type3A_201 = arith.extui %lt3A_200 : i1 to i32
      %cond3A_202 = arith.constant 0 : i32
      %cond3A_203 = arith.cmpi ne, %convert_element_type3A_201, %cond3A_202 : i32
      scf.if %cond3A_203 {
        %dma_wait3A_236 = arith.constant 0 : i32
        %dma_wait3A_237 = tpu.memref_slice %arg2[%mul3A_2, %dma_wait3A_236] : memref<2048x8192xf32, #tpu.memory_space<hbm>> -> memref<1x8192xf32, #tpu.memory_space<hbm>>
        %dma_wait3A_238 = arith.constant 0 : i32
        %dma_wait3A_239 = tpu.memref_slice %arg2[%mul3A_2, %dma_wait3A_238] : memref<2048x8192xf32, #tpu.memory_space<hbm>> -> memref<1x8192xf32, #tpu.memory_space<hbm>>
        tpu.wait_dma2 semaphore(%arg34 : memref<!tpu.dma_semaphore, #tpu.memory_space<semaphore_mem>>) src(%dma_wait3A_239 : memref<1x8192xf32, #tpu.memory_space<hbm>>) dst(%arg10 : memref<1x8192xf32, #tpu.memory_space<vmem>>)
        %dma_wait3A_240 = arith.constant 0 : i32
        %dma_wait3A_241 = tpu.memref_slice %arg3[%mul3A_2, %dma_wait3A_240] : memref<2048x1024xi32, #tpu.memory_space<hbm>> -> memref<1x1024xi32, #tpu.memory_space<hbm>>
        %dma_wait3A_242 = arith.constant 0 : i32
        %dma_wait3A_243 = tpu.memref_slice %arg3[%mul3A_2, %dma_wait3A_242] : memref<2048x1024xi32, #tpu.memory_space<hbm>> -> memref<1x1024xi32, #tpu.memory_space<hbm>>
        tpu.wait_dma2 semaphore(%arg34 : memref<!tpu.dma_semaphore, #tpu.memory_space<semaphore_mem>>) src(%dma_wait3A_243 : memref<1x1024xi32, #tpu.memory_space<hbm>>) dst(%arg18 : memref<1x1024xi32, #tpu.memory_space<vmem>>)
        %ge3A = arith.constant 8 : i32
        %ge3A_244 = arith.cmpi sge, %add3A_189, %ge3A : i32
        %convert_element_type3A_245 = arith.extui %ge3A_244 : i1 to i32
        %cond3A_246 = arith.constant 0 : i32
        %cond3A_247 = arith.cmpi ne, %convert_element_type3A_245, %cond3A_246 : i32
        scf.if %cond3A_247 {
          %dma_wait3A_258 = arith.constant 0 : i32
          %dma_wait3A_259 = tpu.memref_slice %arg4[%mul3A_2, %dma_wait3A_258] : memref<2048x1024xf32, #tpu.memory_space<hbm>> -> memref<1x1024xf32, #tpu.memory_space<hbm>>
          %dma_wait3A_260 = arith.constant 0 : i32
          %dma_wait3A_261 = tpu.memref_slice %arg4[%mul3A_2, %dma_wait3A_260] : memref<2048x1024xf32, #tpu.memory_space<hbm>> -> memref<1x1024xf32, #tpu.memory_space<hbm>>
          tpu.wait_dma2 semaphore(%arg42 : memref<!tpu.dma_semaphore, #tpu.memory_space<semaphore_mem>>) src(%arg26 : memref<1x1024xf32, #tpu.memory_space<vmem>>) dst(%dma_wait3A_261 : memref<1x1024xf32, #tpu.memory_space<hbm>>)
        } else {
        }
        %broadcast_in_dim3A = arith.constant 0 : i32
        %broadcast_in_dim3A_248 = vector.broadcast %broadcast_in_dim3A : i32 to vector<16xi32>
        %parallel_loop3A = arith.constant 0 : i32
        %parallel_loop3A_249 = arith.constant 1024 : i32
        %parallel_loop3A_250 = arith.constant 16 : i32
        scf.for %parallel_loop3A_258 = %parallel_loop3A to %parallel_loop3A_249 step %parallel_loop3A_250  : i32 {
          %parallel_loop3A_259 = arith.constant 0 : i32
          %parallel_loop3A_260 = arith.index_cast %parallel_loop3A_259 : i32 to index
          %parallel_loop3A_261 = arith.index_cast %parallel_loop3A_258 : i32 to index
          %parallel_loop3A_262 = tpu.vector_load %arg18[%parallel_loop3A_260, %parallel_loop3A_261] {strides = array<i32>} : memref<1x1024xi32, #tpu.memory_space<vmem>>, vector<16xi32>,
          %parallel_loop3A_263 = tpu.vector_load_idx %arg10[%broadcast_in_dim3A_248, %parallel_loop3A_262] : memref<1x8192xf32, #tpu.memory_space<vmem>>[vector<16xi32>, vector<16xi32>], vector<16xf32>,
          %parallel_loop3A_264 = arith.constant 0 : i32
          %parallel_loop3A_265 = arith.index_cast %parallel_loop3A_264 : i32 to index
          %parallel_loop3A_266 = arith.index_cast %parallel_loop3A_258 : i32 to index
          %parallel_loop3A_267 = tpu.vector_load %arg26[%parallel_loop3A_265, %parallel_loop3A_266] {strides = array<i32>} : memref<1x1024xf32, #tpu.memory_space<vmem>>, vector<16xf32>,
          tpu.vector_store %arg26[%parallel_loop3A_265, %parallel_loop3A_266], %parallel_loop3A_263 {strides = array<i32>} : memref<1x1024xf32, #tpu.memory_space<vmem>>, vector<16xf32>,
        } {sc.loop_unroll_factor = 4 : i64, sc.parallel_access}
        %mul3A_251 = arith.constant 1 : i32
        %mul3A_252 = arith.muli %add3A_189, %mul3A_251 : i32
        %add3A_253 = arith.addi %mul3A_2, %mul3A_252 : i32
        %dma_start3A_254 = arith.constant 0 : i32
        %dma_start3A_255 = tpu.memref_slice %arg4[%add3A_253, %dma_start3A_254] : memref<2048x1024xf32, #tpu.memory_space<hbm>> -> memref<1x1024xf32, #tpu.memory_space<hbm>>
        %dma_start3A_256 = arith.constant 0 : i32
        %dma_start3A_257 = tpu.memref_slice %arg4[%add3A_253, %dma_start3A_256] : memref<2048x1024xf32, #tpu.memory_space<hbm>> -> memref<1x1024xf32, #tpu.memory_space<hbm>>
        tpu.enqueue_dma source(%arg26 : memref<1x1024xf32, #tpu.memory_space<vmem>>) target(%dma_start3A_257 : memref<1x1024xf32, #tpu.memory_space<hbm>>) target_semaphore(%arg42 : memref<!tpu.dma_semaphore, #tpu.memory_space<semaphore_mem>>)
      } else {
      }
      %add3A_204 = arith.constant 6 : i32
      %add3A_205 = arith.addi %add3A_111, %add3A_204 : i32
      %add3A_206 = arith.constant 8 : i32
      %add3A_207 = arith.addi %add3A_205, %add3A_206 : i32
      %sub3A_208 = arith.constant 1 : i32
      %sub3A_209 = arith.subi %add3A_207, %sub3A_208 : i32
      %lt3A_210 = arith.constant 64 : i32
      %lt3A_211 = arith.cmpi slt, %sub3A_209, %lt3A_210 : i32
      %convert_element_type3A_212 = arith.extui %lt3A_211 : i1 to i32
      %cond3A_213 = arith.constant 0 : i32
      %cond3A_214 = arith.cmpi ne, %convert_element_type3A_212, %cond3A_213 : i32
      scf.if %cond3A_214 {
        %add3A_236 = arith.constant 8 : i32
        %add3A_237 = arith.addi %add3A_205, %add3A_236 : i32
        %sub3A_238 = arith.constant 1 : i32
        %sub3A_239 = arith.subi %add3A_237, %sub3A_238 : i32
        %mul3A_240 = arith.constant 1 : i32
        %mul3A_241 = arith.muli %sub3A_239, %mul3A_240 : i32
        %add3A_242 = arith.addi %mul3A_2, %mul3A_241 : i32
        %dma_start3A_243 = arith.constant 0 : i32
        %dma_start3A_244 = tpu.memref_slice %arg2[%add3A_242, %dma_start3A_243] : memref<2048x8192xf32, #tpu.memory_space<hbm>> -> memref<1x8192xf32, #tpu.memory_space<hbm>>
        %dma_start3A_245 = arith.constant 0 : i32
        %dma_start3A_246 = tpu.memref_slice %arg2[%add3A_242, %dma_start3A_245] : memref<2048x8192xf32, #tpu.memory_space<hbm>> -> memref<1x8192xf32, #tpu.memory_space<hbm>>
        tpu.enqueue_dma source(%dma_start3A_246 : memref<1x8192xf32, #tpu.memory_space<hbm>>) target(%arg10 : memref<1x8192xf32, #tpu.memory_space<vmem>>) target_semaphore(%arg34 : memref<!tpu.dma_semaphore, #tpu.memory_space<semaphore_mem>>)
        %dma_start3A_247 = arith.constant 0 : i32
        %dma_start3A_248 = tpu.memref_slice %arg3[%add3A_242, %dma_start3A_247] : memref<2048x1024xi32, #tpu.memory_space<hbm>> -> memref<1x1024xi32, #tpu.memory_space<hbm>>
        %dma_start3A_249 = arith.constant 0 : i32
        %dma_start3A_250 = tpu.memref_slice %arg3[%add3A_242, %dma_start3A_249] : memref<2048x1024xi32, #tpu.memory_space<hbm>> -> memref<1x1024xi32, #tpu.memory_space<hbm>>
        tpu.enqueue_dma source(%dma_start3A_250 : memref<1x1024xi32, #tpu.memory_space<hbm>>) target(%arg18 : memref<1x1024xi32, #tpu.memory_space<vmem>>) target_semaphore(%arg34 : memref<!tpu.dma_semaphore, #tpu.memory_space<semaphore_mem>>)
      } else {
      }
      %lt3A_215 = arith.constant 64 : i32
      %lt3A_216 = arith.cmpi slt, %add3A_205, %lt3A_215 : i32
      %convert_element_type3A_217 = arith.extui %lt3A_216 : i1 to i32
      %cond3A_218 = arith.constant 0 : i32
      %cond3A_219 = arith.cmpi ne, %convert_element_type3A_217, %cond3A_218 : i32
      scf.if %cond3A_219 {
        %dma_wait3A_236 = arith.constant 0 : i32
        %dma_wait3A_237 = tpu.memref_slice %arg2[%mul3A_2, %dma_wait3A_236] : memref<2048x8192xf32, #tpu.memory_space<hbm>> -> memref<1x8192xf32, #tpu.memory_space<hbm>>
        %dma_wait3A_238 = arith.constant 0 : i32
        %dma_wait3A_239 = tpu.memref_slice %arg2[%mul3A_2, %dma_wait3A_238] : memref<2048x8192xf32, #tpu.memory_space<hbm>> -> memref<1x8192xf32, #tpu.memory_space<hbm>>
        tpu.wait_dma2 semaphore(%arg35 : memref<!tpu.dma_semaphore, #tpu.memory_space<semaphore_mem>>) src(%dma_wait3A_239 : memref<1x8192xf32, #tpu.memory_space<hbm>>) dst(%arg11 : memref<1x8192xf32, #tpu.memory_space<vmem>>)
        %dma_wait3A_240 = arith.constant 0 : i32
        %dma_wait3A_241 = tpu.memref_slice %arg3[%mul3A_2, %dma_wait3A_240] : memref<2048x1024xi32, #tpu.memory_space<hbm>> -> memref<1x1024xi32, #tpu.memory_space<hbm>>
        %dma_wait3A_242 = arith.constant 0 : i32
        %dma_wait3A_243 = tpu.memref_slice %arg3[%mul3A_2, %dma_wait3A_242] : memref<2048x1024xi32, #tpu.memory_space<hbm>> -> memref<1x1024xi32, #tpu.memory_space<hbm>>
        tpu.wait_dma2 semaphore(%arg35 : memref<!tpu.dma_semaphore, #tpu.memory_space<semaphore_mem>>) src(%dma_wait3A_243 : memref<1x1024xi32, #tpu.memory_space<hbm>>) dst(%arg19 : memref<1x1024xi32, #tpu.memory_space<vmem>>)
        %ge3A = arith.constant 8 : i32
        %ge3A_244 = arith.cmpi sge, %add3A_205, %ge3A : i32
        %convert_element_type3A_245 = arith.extui %ge3A_244 : i1 to i32
        %cond3A_246 = arith.constant 0 : i32
        %cond3A_247 = arith.cmpi ne, %convert_element_type3A_245, %cond3A_246 : i32
        scf.if %cond3A_247 {
          %dma_wait3A_258 = arith.constant 0 : i32
          %dma_wait3A_259 = tpu.memref_slice %arg4[%mul3A_2, %dma_wait3A_258] : memref<2048x1024xf32, #tpu.memory_space<hbm>> -> memref<1x1024xf32, #tpu.memory_space<hbm>>
          %dma_wait3A_260 = arith.constant 0 : i32
          %dma_wait3A_261 = tpu.memref_slice %arg4[%mul3A_2, %dma_wait3A_260] : memref<2048x1024xf32, #tpu.memory_space<hbm>> -> memref<1x1024xf32, #tpu.memory_space<hbm>>
          tpu.wait_dma2 semaphore(%arg43 : memref<!tpu.dma_semaphore, #tpu.memory_space<semaphore_mem>>) src(%arg27 : memref<1x1024xf32, #tpu.memory_space<vmem>>) dst(%dma_wait3A_261 : memref<1x1024xf32, #tpu.memory_space<hbm>>)
        } else {
        }
        %broadcast_in_dim3A = arith.constant 0 : i32
        %broadcast_in_dim3A_248 = vector.broadcast %broadcast_in_dim3A : i32 to vector<16xi32>
        %parallel_loop3A = arith.constant 0 : i32
        %parallel_loop3A_249 = arith.constant 1024 : i32
        %parallel_loop3A_250 = arith.constant 16 : i32
        scf.for %parallel_loop3A_258 = %parallel_loop3A to %parallel_loop3A_249 step %parallel_loop3A_250  : i32 {
          %parallel_loop3A_259 = arith.constant 0 : i32
          %parallel_loop3A_260 = arith.index_cast %parallel_loop3A_259 : i32 to index
          %parallel_loop3A_261 = arith.index_cast %parallel_loop3A_258 : i32 to index
          %parallel_loop3A_262 = tpu.vector_load %arg19[%parallel_loop3A_260, %parallel_loop3A_261] {strides = array<i32>} : memref<1x1024xi32, #tpu.memory_space<vmem>>, vector<16xi32>,
          %parallel_loop3A_263 = tpu.vector_load_idx %arg11[%broadcast_in_dim3A_248, %parallel_loop3A_262] : memref<1x8192xf32, #tpu.memory_space<vmem>>[vector<16xi32>, vector<16xi32>], vector<16xf32>,
          %parallel_loop3A_264 = arith.constant 0 : i32
          %parallel_loop3A_265 = arith.index_cast %parallel_loop3A_264 : i32 to index
          %parallel_loop3A_266 = arith.index_cast %parallel_loop3A_258 : i32 to index
          %parallel_loop3A_267 = tpu.vector_load %arg27[%parallel_loop3A_265, %parallel_loop3A_266] {strides = array<i32>} : memref<1x1024xf32, #tpu.memory_space<vmem>>, vector<16xf32>,
          tpu.vector_store %arg27[%parallel_loop3A_265, %parallel_loop3A_266], %parallel_loop3A_263 {strides = array<i32>} : memref<1x1024xf32, #tpu.memory_space<vmem>>, vector<16xf32>,
        } {sc.loop_unroll_factor = 4 : i64, sc.parallel_access}
        %mul3A_251 = arith.constant 1 : i32
        %mul3A_252 = arith.muli %add3A_205, %mul3A_251 : i32
        %add3A_253 = arith.addi %mul3A_2, %mul3A_252 : i32
        %dma_start3A_254 = arith.constant 0 : i32
        %dma_start3A_255 = tpu.memref_slice %arg4[%add3A_253, %dma_start3A_254] : memref<2048x1024xf32, #tpu.memory_space<hbm>> -> memref<1x1024xf32, #tpu.memory_space<hbm>>
        %dma_start3A_256 = arith.constant 0 : i32
        %dma_start3A_257 = tpu.memref_slice %arg4[%add3A_253, %dma_start3A_256] : memref<2048x1024xf32, #tpu.memory_space<hbm>> -> memref<1x1024xf32, #tpu.memory_space<hbm>>
        tpu.enqueue_dma source(%arg27 : memref<1x1024xf32, #tpu.memory_space<vmem>>) target(%dma_start3A_257 : memref<1x1024xf32, #tpu.memory_space<hbm>>) target_semaphore(%arg43 : memref<!tpu.dma_semaphore, #tpu.memory_space<semaphore_mem>>)
      } else {
      }
      %add3A_220 = arith.constant 7 : i32
      %add3A_221 = arith.addi %add3A_111, %add3A_220 : i32
      %add3A_222 = arith.constant 8 : i32
      %add3A_223 = arith.addi %add3A_221, %add3A_222 : i32
      %sub3A_224 = arith.constant 1 : i32
      %sub3A_225 = arith.subi %add3A_223, %sub3A_224 : i32
      %lt3A_226 = arith.constant 64 : i32
      %lt3A_227 = arith.cmpi slt, %sub3A_225, %lt3A_226 : i32
      %convert_element_type3A_228 = arith.extui %lt3A_227 : i1 to i32
      %cond3A_229 = arith.constant 0 : i32
      %cond3A_230 = arith.cmpi ne, %convert_element_type3A_228, %cond3A_229 : i32
      scf.if %cond3A_230 {
        %add3A_236 = arith.constant 8 : i32
        %add3A_237 = arith.addi %add3A_221, %add3A_236 : i32
        %sub3A_238 = arith.constant 1 : i32
        %sub3A_239 = arith.subi %add3A_237, %sub3A_238 : i32
        %mul3A_240 = arith.constant 1 : i32
        %mul3A_241 = arith.muli %sub3A_239, %mul3A_240 : i32
        %add3A_242 = arith.addi %mul3A_2, %mul3A_241 : i32
        %dma_start3A_243 = arith.constant 0 : i32
        %dma_start3A_244 = tpu.memref_slice %arg2[%add3A_242, %dma_start3A_243] : memref<2048x8192xf32, #tpu.memory_space<hbm>> -> memref<1x8192xf32, #tpu.memory_space<hbm>>
        %dma_start3A_245 = arith.constant 0 : i32
        %dma_start3A_246 = tpu.memref_slice %arg2[%add3A_242, %dma_start3A_245] : memref<2048x8192xf32, #tpu.memory_space<hbm>> -> memref<1x8192xf32, #tpu.memory_space<hbm>>
        tpu.enqueue_dma source(%dma_start3A_246 : memref<1x8192xf32, #tpu.memory_space<hbm>>) target(%arg11 : memref<1x8192xf32, #tpu.memory_space<vmem>>) target_semaphore(%arg35 : memref<!tpu.dma_semaphore, #tpu.memory_space<semaphore_mem>>)
        %dma_start3A_247 = arith.constant 0 : i32
        %dma_start3A_248 = tpu.memref_slice %arg3[%add3A_242, %dma_start3A_247] : memref<2048x1024xi32, #tpu.memory_space<hbm>> -> memref<1x1024xi32, #tpu.memory_space<hbm>>
        %dma_start3A_249 = arith.constant 0 : i32
        %dma_start3A_250 = tpu.memref_slice %arg3[%add3A_242, %dma_start3A_249] : memref<2048x1024xi32, #tpu.memory_space<hbm>> -> memref<1x1024xi32, #tpu.memory_space<hbm>>
        tpu.enqueue_dma source(%dma_start3A_250 : memref<1x1024xi32, #tpu.memory_space<hbm>>) target(%arg19 : memref<1x1024xi32, #tpu.memory_space<vmem>>) target_semaphore(%arg35 : memref<!tpu.dma_semaphore, #tpu.memory_space<semaphore_mem>>)
      } else {
      }
      %lt3A_231 = arith.constant 64 : i32
      %lt3A_232 = arith.cmpi slt, %add3A_221, %lt3A_231 : i32
      %convert_element_type3A_233 = arith.extui %lt3A_232 : i1 to i32
      %cond3A_234 = arith.constant 0 : i32
      %cond3A_235 = arith.cmpi ne, %convert_element_type3A_233, %cond3A_234 : i32
      scf.if %cond3A_235 {
        %dma_wait3A_236 = arith.constant 0 : i32
        %dma_wait3A_237 = tpu.memref_slice %arg2[%mul3A_2, %dma_wait3A_236] : memref<2048x8192xf32, #tpu.memory_space<hbm>> -> memref<1x8192xf32, #tpu.memory_space<hbm>>
        %dma_wait3A_238 = arith.constant 0 : i32
        %dma_wait3A_239 = tpu.memref_slice %arg2[%mul3A_2, %dma_wait3A_238] : memref<2048x8192xf32, #tpu.memory_space<hbm>> -> memref<1x8192xf32, #tpu.memory_space<hbm>>
        tpu.wait_dma2 semaphore(%arg36 : memref<!tpu.dma_semaphore, #tpu.memory_space<semaphore_mem>>) src(%dma_wait3A_239 : memref<1x8192xf32, #tpu.memory_space<hbm>>) dst(%arg12 : memref<1x8192xf32, #tpu.memory_space<vmem>>)
        %dma_wait3A_240 = arith.constant 0 : i32
        %dma_wait3A_241 = tpu.memref_slice %arg3[%mul3A_2, %dma_wait3A_240] : memref<2048x1024xi32, #tpu.memory_space<hbm>> -> memref<1x1024xi32, #tpu.memory_space<hbm>>
        %dma_wait3A_242 = arith.constant 0 : i32
        %dma_wait3A_243 = tpu.memref_slice %arg3[%mul3A_2, %dma_wait3A_242] : memref<2048x1024xi32, #tpu.memory_space<hbm>> -> memref<1x1024xi32, #tpu.memory_space<hbm>>
        tpu.wait_dma2 semaphore(%arg36 : memref<!tpu.dma_semaphore, #tpu.memory_space<semaphore_mem>>) src(%dma_wait3A_243 : memref<1x1024xi32, #tpu.memory_space<hbm>>) dst(%arg20 : memref<1x1024xi32, #tpu.memory_space<vmem>>)
        %ge3A = arith.constant 8 : i32
        %ge3A_244 = arith.cmpi sge, %add3A_221, %ge3A : i32
        %convert_element_type3A_245 = arith.extui %ge3A_244 : i1 to i32
        %cond3A_246 = arith.constant 0 : i32
        %cond3A_247 = arith.cmpi ne, %convert_element_type3A_245, %cond3A_246 : i32
        scf.if %cond3A_247 {
          %dma_wait3A_258 = arith.constant 0 : i32
          %dma_wait3A_259 = tpu.memref_slice %arg4[%mul3A_2, %dma_wait3A_258] : memref<2048x1024xf32, #tpu.memory_space<hbm>> -> memref<1x1024xf32, #tpu.memory_space<hbm>>
          %dma_wait3A_260 = arith.constant 0 : i32
          %dma_wait3A_261 = tpu.memref_slice %arg4[%mul3A_2, %dma_wait3A_260] : memref<2048x1024xf32, #tpu.memory_space<hbm>> -> memref<1x1024xf32, #tpu.memory_space<hbm>>
          tpu.wait_dma2 semaphore(%arg44 : memref<!tpu.dma_semaphore, #tpu.memory_space<semaphore_mem>>) src(%arg28 : memref<1x1024xf32, #tpu.memory_space<vmem>>) dst(%dma_wait3A_261 : memref<1x1024xf32, #tpu.memory_space<hbm>>)
        } else {
        }
        %broadcast_in_dim3A = arith.constant 0 : i32
        %broadcast_in_dim3A_248 = vector.broadcast %broadcast_in_dim3A : i32 to vector<16xi32>
        %parallel_loop3A = arith.constant 0 : i32
        %parallel_loop3A_249 = arith.constant 1024 : i32
        %parallel_loop3A_250 = arith.constant 16 : i32
        scf.for %parallel_loop3A_258 = %parallel_loop3A to %parallel_loop3A_249 step %parallel_loop3A_250  : i32 {
          %parallel_loop3A_259 = arith.constant 0 : i32
          %parallel_loop3A_260 = arith.index_cast %parallel_loop3A_259 : i32 to index
          %parallel_loop3A_261 = arith.index_cast %parallel_loop3A_258 : i32 to index
          %parallel_loop3A_262 = tpu.vector_load %arg20[%parallel_loop3A_260, %parallel_loop3A_261] {strides = array<i32>} : memref<1x1024xi32, #tpu.memory_space<vmem>>, vector<16xi32>,
          %parallel_loop3A_263 = tpu.vector_load_idx %arg12[%broadcast_in_dim3A_248, %parallel_loop3A_262] : memref<1x8192xf32, #tpu.memory_space<vmem>>[vector<16xi32>, vector<16xi32>], vector<16xf32>,
          %parallel_loop3A_264 = arith.constant 0 : i32
          %parallel_loop3A_265 = arith.index_cast %parallel_loop3A_264 : i32 to index
          %parallel_loop3A_266 = arith.index_cast %parallel_loop3A_258 : i32 to index
          %parallel_loop3A_267 = tpu.vector_load %arg28[%parallel_loop3A_265, %parallel_loop3A_266] {strides = array<i32>} : memref<1x1024xf32, #tpu.memory_space<vmem>>, vector<16xf32>,
          tpu.vector_store %arg28[%parallel_loop3A_265, %parallel_loop3A_266], %parallel_loop3A_263 {strides = array<i32>} : memref<1x1024xf32, #tpu.memory_space<vmem>>, vector<16xf32>,
        } {sc.loop_unroll_factor = 4 : i64, sc.parallel_access}
        %mul3A_251 = arith.constant 1 : i32
        %mul3A_252 = arith.muli %add3A_221, %mul3A_251 : i32
        %add3A_253 = arith.addi %mul3A_2, %mul3A_252 : i32
        %dma_start3A_254 = arith.constant 0 : i32
        %dma_start3A_255 = tpu.memref_slice %arg4[%add3A_253, %dma_start3A_254] : memref<2048x1024xf32, #tpu.memory_space<hbm>> -> memref<1x1024xf32, #tpu.memory_space<hbm>>
        %dma_start3A_256 = arith.constant 0 : i32
        %dma_start3A_257 = tpu.memref_slice %arg4[%add3A_253, %dma_start3A_256] : memref<2048x1024xf32, #tpu.memory_space<hbm>> -> memref<1x1024xf32, #tpu.memory_space<hbm>>
        tpu.enqueue_dma source(%arg28 : memref<1x1024xf32, #tpu.memory_space<vmem>>) target(%dma_start3A_257 : memref<1x1024xf32, #tpu.memory_space<hbm>>) target_semaphore(%arg44 : memref<!tpu.dma_semaphore, #tpu.memory_space<semaphore_mem>>)
      } else {
      }
    }
    %scan3A_75 = arith.constant 8 : i32
    %dma_wait3A = arith.constant 0 : i32
    %dma_wait3A_76 = tpu.memref_slice %arg4[%mul3A_2, %dma_wait3A] : memref<2048x1024xf32, #tpu.memory_space<hbm>> -> memref<1x1024xf32, #tpu.memory_space<hbm>>
    %dma_wait3A_77 = arith.constant 0 : i32
    %dma_wait3A_78 = tpu.memref_slice %arg4[%mul3A_2, %dma_wait3A_77] : memref<2048x1024xf32, #tpu.memory_space<hbm>> -> memref<1x1024xf32, #tpu.memory_space<hbm>>
    tpu.wait_dma2 semaphore(%arg37 : memref<!tpu.dma_semaphore, #tpu.memory_space<semaphore_mem>>) src(%arg21 : memref<1x1024xf32, #tpu.memory_space<vmem>>) dst(%dma_wait3A_78 : memref<1x1024xf32, #tpu.memory_space<hbm>>)
    %dma_wait3A_79 = arith.constant 0 : i32
    %dma_wait3A_80 = tpu.memref_slice %arg4[%mul3A_2, %dma_wait3A_79] : memref<2048x1024xf32, #tpu.memory_space<hbm>> -> memref<1x1024xf32, #tpu.memory_space<hbm>>
    %dma_wait3A_81 = arith.constant 0 : i32
    %dma_wait3A_82 = tpu.memref_slice %arg4[%mul3A_2, %dma_wait3A_81] : memref<2048x1024xf32, #tpu.memory_space<hbm>> -> memref<1x1024xf32, #tpu.memory_space<hbm>>
    tpu.wait_dma2 semaphore(%arg38 : memref<!tpu.dma_semaphore, #tpu.memory_space<semaphore_mem>>) src(%arg22 : memref<1x1024xf32, #tpu.memory_space<vmem>>) dst(%dma_wait3A_82 : memref<1x1024xf32, #tpu.memory_space<hbm>>)
    %dma_wait3A_83 = arith.constant 0 : i32
    %dma_wait3A_84 = tpu.memref_slice %arg4[%mul3A_2, %dma_wait3A_83] : memref<2048x1024xf32, #tpu.memory_space<hbm>> -> memref<1x1024xf32, #tpu.memory_space<hbm>>
    %dma_wait3A_85 = arith.constant 0 : i32
    %dma_wait3A_86 = tpu.memref_slice %arg4[%mul3A_2, %dma_wait3A_85] : memref<2048x1024xf32, #tpu.memory_space<hbm>> -> memref<1x1024xf32, #tpu.memory_space<hbm>>
    tpu.wait_dma2 semaphore(%arg39 : memref<!tpu.dma_semaphore, #tpu.memory_space<semaphore_mem>>) src(%arg23 : memref<1x1024xf32, #tpu.memory_space<vmem>>) dst(%dma_wait3A_86 : memref<1x1024xf32, #tpu.memory_space<hbm>>)
    %dma_wait3A_87 = arith.constant 0 : i32
    %dma_wait3A_88 = tpu.memref_slice %arg4[%mul3A_2, %dma_wait3A_87] : memref<2048x1024xf32, #tpu.memory_space<hbm>> -> memref<1x1024xf32, #tpu.memory_space<hbm>>
    %dma_wait3A_89 = arith.constant 0 : i32
    %dma_wait3A_90 = tpu.memref_slice %arg4[%mul3A_2, %dma_wait3A_89] : memref<2048x1024xf32, #tpu.memory_space<hbm>> -> memref<1x1024xf32, #tpu.memory_space<hbm>>
    tpu.wait_dma2 semaphore(%arg40 : memref<!tpu.dma_semaphore, #tpu.memory_space<semaphore_mem>>) src(%arg24 : memref<1x1024xf32, #tpu.memory_space<vmem>>) dst(%dma_wait3A_90 : memref<1x1024xf32, #tpu.memory_space<hbm>>)
    %dma_wait3A_91 = arith.constant 0 : i32
    %dma_wait3A_92 = tpu.memref_slice %arg4[%mul3A_2, %dma_wait3A_91] : memref<2048x1024xf32, #tpu.memory_space<hbm>> -> memref<1x1024xf32, #tpu.memory_space<hbm>>
    %dma_wait3A_93 = arith.constant 0 : i32
    %dma_wait3A_94 = tpu.memref_slice %arg4[%mul3A_2, %dma_wait3A_93] : memref<2048x1024xf32, #tpu.memory_space<hbm>> -> memref<1x1024xf32, #tpu.memory_space<hbm>>
    tpu.wait_dma2 semaphore(%arg41 : memref<!tpu.dma_semaphore, #tpu.memory_space<semaphore_mem>>) src(%arg25 : memref<1x1024xf32, #tpu.memory_space<vmem>>) dst(%dma_wait3A_94 : memref<1x1024xf32, #tpu.memory_space<hbm>>)
    %dma_wait3A_95 = arith.constant 0 : i32
    %dma_wait3A_96 = tpu.memref_slice %arg4[%mul3A_2, %dma_wait3A_95] : memref<2048x1024xf32, #tpu.memory_space<hbm>> -> memref<1x1024xf32, #tpu.memory_space<hbm>>
    %dma_wait3A_97 = arith.constant 0 : i32
    %dma_wait3A_98 = tpu.memref_slice %arg4[%mul3A_2, %dma_wait3A_97] : memref<2048x1024xf32, #tpu.memory_space<hbm>> -> memref<1x1024xf32, #tpu.memory_space<hbm>>
    tpu.wait_dma2 semaphore(%arg42 : memref<!tpu.dma_semaphore, #tpu.memory_space<semaphore_mem>>) src(%arg26 : memref<1x1024xf32, #tpu.memory_space<vmem>>) dst(%dma_wait3A_98 : memref<1x1024xf32, #tpu.memory_space<hbm>>)
    %dma_wait3A_99 = arith.constant 0 : i32
    %dma_wait3A_100 = tpu.memref_slice %arg4[%mul3A_2, %dma_wait3A_99] : memref<2048x1024xf32, #tpu.memory_space<hbm>> -> memref<1x1024xf32, #tpu.memory_space<hbm>>
    %dma_wait3A_101 = arith.constant 0 : i32
    %dma_wait3A_102 = tpu.memref_slice %arg4[%mul3A_2, %dma_wait3A_101] : memref<2048x1024xf32, #tpu.memory_space<hbm>> -> memref<1x1024xf32, #tpu.memory_space<hbm>>
    tpu.wait_dma2 semaphore(%arg43 : memref<!tpu.dma_semaphore, #tpu.memory_space<semaphore_mem>>) src(%arg27 : memref<1x1024xf32, #tpu.memory_space<vmem>>) dst(%dma_wait3A_102 : memref<1x1024xf32, #tpu.memory_space<hbm>>)
    %dma_wait3A_103 = arith.constant 0 : i32
    %dma_wait3A_104 = tpu.memref_slice %arg4[%mul3A_2, %dma_wait3A_103] : memref<2048x1024xf32, #tpu.memory_space<hbm>> -> memref<1x1024xf32, #tpu.memory_space<hbm>>
    %dma_wait3A_105 = arith.constant 0 : i32
    %dma_wait3A_106 = tpu.memref_slice %arg4[%mul3A_2, %dma_wait3A_105] : memref<2048x1024xf32, #tpu.memory_space<hbm>> -> memref<1x1024xf32, #tpu.memory_space<hbm>>
    tpu.wait_dma2 semaphore(%arg44 : memref<!tpu.dma_semaphore, #tpu.memory_space<semaphore_mem>>) src(%arg28 : memref<1x1024xf32, #tpu.memory_space<vmem>>) dst(%dma_wait3A_106 : memref<1x1024xf32, #tpu.memory_space<hbm>>)
    return
  }
}

</mosaic_0001>

<sc_bundles>
// kernel: kernel.3.cloned.1.call-start
scs
__scs_entry_jumppad:
0x0: {  	(pc) =	sbr.rel $0x88, $3  }
0x1: {  	(tag) =	ssettag $0x0;
	lr =	simm.s32 $0x1  }
0x2: {  	[smem:$0x3F9F] =	sst lr;
	_ =	strace $0xD0000000  }
0x3: {  	_ = 	snop  }
0x4: {  	_ = 	snop  }
0x5: {  	_ = 	snop  }
0x6: {  	_ = 	snop  }
0x7: {  	_ = 	snop  }
__scs_overlays_trampoline_lowered:
0x8: {  	[smem:$0x3FAE] =	sst s0  }
0x9: {  	[smem:$0x3FAF] =	sst s1  }
0xa: {  	[smem:$0x3FB0] =	sst s2  }
0xb: {  	[smem:$0x3FB1] =	sst s3  }
0xc: {  	[smem:$0x3FB2] =	sst s4  }
0xd: {  	[smem:$0x3FB3] =	sst s5  }
0xe: {  	[smem:$0x3FB4] =	sst s6  }
0xf: {  	[smem:$0x3FB5] =	sst s7  }
0x10: {  	[smem:$0x3FB6] =	sst s8  }
0x11: {  	[smem:$0x3FB7] =	sst s9;
	s0 =	simm.s32 @!p0 $0x0  }
0x12: {  	s1 =	sld [smem:$0x3F9D];
	s0 =	simm.s32 @p0 $0x1  }
0x13: {  	[smem:$0x3FB8] =	sst s0;
	s0 =	simm.s32 @!p1 $0x0  }
0x14: {  	s2 =	sld [smem:$0x3F9C];
	s0 =	simm.s32 @p1 $0x1  }
0x15: {  	[smem:$0x3FB9] =	sst s0;
	s0 =	simm.s32 @!p2 $0x0  }
0x16: {  	s3 =	sld [smem:$0x3FDB];
	s0 =	simm.s32 @p2 $0x1  }
0x17: {  	s4 =	simm.s32 $0x1BF5;
	[smem:$0x3FBB] =	sst s0  }
0x18: {  	s0 =	sld [smem:$0x3F9E];
	_ =	swait.ge [sflag:s4], $0x0  }
0x19: {  	s7 =	sld [smem:$0x3F9F]  }
0x1a: {  	s8 =	sadd.s32 $0xFFFFE003, lr  }
0x1b: {  	s9 =	sadd.s32 $0xFFFFFEF7, lr;
	s5 =	simm.s32 $0xFFFFFFFF;
	p2 =	slt.u32 s8, $0xFFFFF086  }
0x1c: {  	p1 =	slt.u32 s9, $0xF7A;
	s5 =	simm.s32 @!p2 $0x0  }
0x1d: {  	s5 =	simm.s32 @p1 $0x1;
	p0 =	seq.s32 s7, s2  }
0x1e: {  	s7 =	smul.u32 @!p0 $0xF7A, s2;
	p2 =	seq.s32 @!p0 s5, $0x0  }
0x1f: {  	s9 =	smul.u32 $0xF7A, s1;
	s8 =	simm.s32 @!p0 $0x1BF5;
	p2 =	por !p2, p0  }
0x20: {  	[sflag:s8] =	ssyncset.s32 @!p0 $0xFFFFF086;
	s6 =	sadd.s32 @!p0 s3, s7;
	s7 =	simm.s32 @!p0 $0x108  }
0x21: {  	s3 =	sadd.s32 s3, s9;
	s6 =	sadd.s32 @!p0 $0x88, s6;
	s7 =	simm.s32 @p2 $0x1082  }
0x22: {  	[simem:s7], [sflag:s8] =	dma.local @!p0 [hbm:s6], $0xF7A  }
0x23: {  	s9 =	sor.u32 $0xD0000000, s2;
	s6 =	simm.s32 $0x108;
	_ =	swait.ge @!p0 [sflag:s8], $0x0  }
0x24: {  	s3 =	sadd.s32 $0x88, s3;
	s6 =	simm.s32 @!p1 $0x1082;
	[sflag:s4] =	ssyncset.s32 $0xFFFFF086  }
0x25: {  	[simem:s6], [sflag:s4] =	dma.local [hbm:s3], $0xF7A  }
0x26: {  	[smem:$0x3F9F] =	sst s1;
	(tag) =	ssettag s2;
	_ =	strace s9  }
0x27: {  	s1 =	sld [smem:$0x3FAF]  }
0x28: {  	s2 =	sld [smem:$0x3FB0]  }
0x29: {  	s4 =	sld [smem:$0x3FB2]  }
0x2a: {  	p0 =	seq.s32 s5, $0x0;
	s5 =	sld [smem:$0x3FB3]  }
0x2b: {  	s6 =	sld [smem:$0x3FB4]  }
0x2c: {  	s7 =	sld [smem:$0x3FB5]  }
0x2d: {  	s3 =	simm.s32 $0x108;
	s8 =	sld [smem:$0x3FB6]  }
0x2e: {  	s3 =	simm.s32 @!p0 $0x1082;
	s9 =	sld [smem:$0x3FB7]  }
0x2f: {  	lr =	sadd.s32 s0, s3;
	s0 =	sld [smem:$0x3FAE]  }
0x30: {  	s3 =	sld [smem:$0x3FB1]  }
0x31: {  	[smem:$0x3FBA] =	sst s10  }
0x32: {  	s10 =	sld [smem:$0x3FB8];
	_ =	sdelay $0x3  }
0x33: {  	p0 =	seq.s32 s10, $0x1;
	s10 =	sld [smem:$0x3FBA];
	_ =	sdelay $0x3  }
0x34: {  	[smem:$0x3FBA] =	sst s10  }
0x35: {  	s10 =	sld [smem:$0x3FB9];
	_ =	sdelay $0x3  }
0x36: {  	p1 =	seq.s32 s10, $0x1;
	s10 =	sld [smem:$0x3FBA];
	_ =	sdelay $0x3  }
0x37: {  	[smem:$0x3FBA] =	sst s10  }
0x38: {  	s10 =	sld [smem:$0x3FBB]  }
0x39: {  	_ = 	snop;
	(pc) =	sbr.ind lr, $3  }
0x3a: {  	_ = 	snop  }
0x3b: {  	_ = 	snop  }
0x3c: {  	p2 =	seq.s32 s10, $0x1;
	s10 =	sld [smem:$0x3FBA]  }
0x3d: {  	_ =	shalt  }
0x3e: {  	_ =	shalt  }
0x3f: {  	_ =	shalt  }
0x40: {  	_ =	shalt  }
0x41: {  	_ =	shalt  }
0x42: {  	_ =	shalt  }
0x43: {  	_ =	shalt  }
0x44: {  	_ =	shalt  }
0x45: {  	_ =	shalt  }
0x46: {  	_ =	shalt  }
0x47: {  	_ =	shalt  }
0x48: {  	_ =	shalt  }
0x49: {  	_ =	shalt  }
0x4a: {  	_ =	shalt  }
0x4b: {  	_ =	shalt  }
0x4c: {  	_ =	shalt  }
0x4d: {  	_ =	shalt  }
0x4e: {  	_ =	shalt  }
0x4f: {  	_ =	shalt  }
0x50: {  	_ =	shalt  }
0x51: {  	_ =	shalt  }
0x52: {  	_ =	shalt  }
0x53: {  	_ =	shalt  }
0x54: {  	_ =	shalt  }
0x55: {  	_ =	shalt  }
0x56: {  	_ =	shalt  }
0x57: {  	_ =	shalt  }
0x58: {  	_ =	shalt  }
0x59: {  	_ =	shalt  }
0x5a: {  	_ =	shalt  }
0x5b: {  	_ =	shalt  }
0x5c: {  	_ =	shalt  }
0x5d: {  	_ =	shalt  }
0x5e: {  	_ =	shalt  }
0x5f: {  	_ =	shalt  }
0x60: {  	_ =	shalt  }
0x61: {  	_ =	shalt  }
0x62: {  	_ =	shalt  }
0x63: {  	_ =	shalt  }
0x64: {  	_ =	shalt  }
0x65: {  	_ =	shalt  }
0x66: {  	_ =	shalt  }
0x67: {  	_ =	shalt  }
0x68: {  	_ =	shalt  }
0x69: {  	_ =	shalt  }
0x6a: {  	_ =	shalt  }
0x6b: {  	_ =	shalt  }
0x6c: {  	_ =	shalt  }
0x6d: {  	_ =	shalt  }
0x6e: {  	_ =	shalt  }
0x6f: {  	_ =	shalt  }
0x70: {  	_ =	shalt  }
0x71: {  	_ =	shalt  }
0x72: {  	_ =	shalt  }
0x73: {  	_ =	shalt  }
0x74: {  	_ =	shalt  }
0x75: {  	_ =	shalt  }
0x76: {  	_ =	shalt  }
0x77: {  	_ =	shalt  }
0x78: {  	_ =	shalt  }
0x79: {  	_ =	shalt  }
0x7a: {  	_ =	shalt  }
0x7b: {  	_ =	shalt  }
0x7c: {  	_ =	shalt  }
0x7d: {  	_ =	shalt  }
0x7e: {  	_ =	shalt  }
0x7f: {  	_ =	shalt  }
0x80: {  	_ =	shalt  }
0x81: {  	_ =	shalt  }
0x82: {  	_ =	shalt  }
0x83: {  	_ =	shalt  }
0x84: {  	_ =	shalt  }
0x85: {  	_ =	shalt  }
0x86: {  	_ =	shalt  }
0x87: {  	_ =	shalt  }
.Lfunc_end0:
.L_simem_size_0:
called_computation_lowered:
.L_overlay_start_0:
0x88: {  	s2 =	sld [smem:$0x3FD9]  }
0x89: {  	s3 =	sld [smem:$0x3FFE];
	_ =	sdelay $0x1  }
0x8a: {  	s1 =	srdreg.scid  }
0x8b: {  	s0 =	sand.u32 $0x1, s1  }
0x8c: {  	s18 =	sshll.u32 s0, $0xA;
	s2 =	sadd.s32 s3, s2  }
0x8d: {  	s2 =	sadd.s32 s2, s18  }
0x8e: {  	[smem:$0x3FC6] =	sst s2  }
0x8f: {  	_ = 	snop  }
0x90: {  	s2 =	sld [smem:$0x3FC9]  }
0x91: {  	s19 =	sld [smem:$0x3FC8]  }
0x92: {  	s4 =	sld [smem:$0x3FD0];
	(tm) =	ssettm $0x1  }
0x93: {  	s5 =	sld [smem:$0x3FFB];
	_ =	sdelay $0x3  }
0x94: {  	_ =	strace s5  }
0x95: {  	s5 =	sld [smem:$0x3FFC];
	_ =	sdelay $0x3  }
0x96: {  	_ =	strace s5  }
0x97: {  	s5 =	sld [smem:$0x3FFD];
	_ =	sdelay $0x3  }
0x98: {  	_ =	strace s5  }
0x99: {  	_ =	strace $0x8FFFFFFF  }
0x9a: {  	s20 =	sld [smem:$0x3FDB];
	_ =	sdelay $0x1  }
0x9b: {  	s6 =	simm.s32 $_scs_section_size  }
0x9c: {  	s7 =	simm.s32 $_size__tile_overlayer_lowered;
	s8 =	simm.s32 $_tile_overlayer_lowered  }
0x9d: {  	s23 =	simm.s32 $0x1BFF;
	s22 =	sshll.u32 s8, $0x1;
	s5 =	sadd.s32 s6, s20  }
0x9e: {  	s9 =	simm.s32 $0x0;
	s21 =	sshll.u32 s7, $0x1;
	s7 =	sadd.s32 s22, s5  }
0x9f: {  	[timem:s9], [sflag:s23] =	dma.local [hbm:s7], s21  }
0xa0: {  	_ =	swait.ge [sflag:s23], s21  }
0xa1: {  	s6 =	ssub.s32 $0x0, s21;
	[sflag:s23] =	ssyncset.done $0x0  }
0xa2: {  	[sflag:s23] =	ssyncadd.s32 s6;
	_ =	sdelay $0x1  }
0xa3: {  	s24 =	simm.s32 $0x1B8B  }
0xa4: {  	_ =	swait.ge [sflag:s24], $0x1  }
0xa5: {  	[sflag:s24] =	ssyncset.done $0x0  }
0xa6: {  	s25 =	simm.s32 $0x1B8E;
	[sflag:s24] =	ssyncadd.s32 $0xFFFFFFFF  }
0xa7: {  	s26 =	simm.s32 $execute0_lowered;
	[smem:$0x3FD2] =	sst s25  }
0xa8: {  	s6 =	sshll.u32 s26, $0x1;
	_ =	strace $0x80000046;
	[dreg:$0x1] =	wrdreg $0xFFFFFFFF  }
0xa9: {  	s28 =	simm.s32 $_size_execute0_lowered;
	s5 =	sadd.s32 s5, s6;
	[dreg:$0x0] =	wrdreg $0x0  }
0xaa: {  	s6 =	sshll.u32 s28, $0x1;
	[dreg:$0x2] =	wrdreg s5  }
0xab: {  	[dreg:$0x3] =	wrdreg s6  }
0xac: {  	[dreg:$0x4] =	wrdreg $0xC0  }
0xad: {  	_ =	task [dreg:s9], $0x5FFFF  }
0xae: {  	[dreg:$0x1] =	wrdreg $0xFFFFFFFF  }
0xaf: {  	[dreg:$0x0] =	wrdreg $0x60  }
0xb0: {  	[dreg:$0x2] =	wrdreg s2  }
0xb1: {  	[dreg:$0x3] =	wrdreg s19  }
0xb2: {  	[dreg:$0x4] =	wrdreg s4  }
0xb3: {  	[dreg:$0x5] =	wrdreg $0x9  }
0xb4: {  	_ =	task.clear_ibuf [dreg:s9], $0x6FFFF;
	_ =	strace $0x90000046  }
0xb5: {  	s29 =	simm.s32 $0x9;
	_ =	strace $0x80000048  }
0xb6: {  	_ =	swait.ge [sflag:s29], $0x1  }
0xb7: {  	[sflag:s29] =	ssyncadd.s32 $0xFFFFFFFF  }
0xb8: {  	_ =	strace $0x90000048  }
0xb9: {  	_ =	sfence  }
0xba: {  	s30 =	sld [smem:$0x0];
	_ =	sdelay $0x2  }
0xbb: {  	s31 =	sshll.u32 s1, $0xD;
	s1 =	sshrl.u32 s1, $0x2  }
0xbc: {  	s3 =	sand.u32 $0x4000, s31;
	s1 =	sadd.s32 s1, s30  }
0xbd: {  	s0 =	sor.u32 s3, s0;
	s1 =	sshll.u32 s1, $0x11  }
0xbe: {  	s0 =	sor.u32 s1, s0  }
0xbf: {  	s0 =	sadd.s32 $0x8F2B, s0  }
0xc0: {  	[sflag:s0] =	ssyncadd.remote.s32 $0x1  }
0xc1: {  	_ =	sfence.sel $0xFFFF  }
0xc2: {  	[dreg:$0x0] =	wrdreg $0xFFFFFFFF;
	(pc) =	sbr.abs _section_cstart, $3  }
0xc3: {  	[dreg:$0x1] =	wrdreg $0xFFFFFFFF  }
0xc4: {  	_ =	task.clear_ibuf [dreg:s9], $0x2FFFF;
	_ =	strace $0x9FFFFFFF  }
0xc5: {  	(tm) =	ssettm $0x7FFFFFFF  }
tec
execute0_lowered:
.L_overlay_start_1:
0x0: {  	(tag) =	ssettag $0x1  }
0x1: {  	s4 =	rddreg [dreg:$0x0]  }
0x2: {  	s6 =	rddreg [dreg:$0x1]  }
0x3: {  	s7 =	rddreg [dreg:$0x2];
	s5 =	simm.s32 $0x0  }
0x4: {  	[smem:$0x7FF] =	sst s5;
	s23 =	sadd.s32 $0x10, s4  }
0x5: {  	s24 =	sadd.s32 $0x10, s6;
	_ =	strace $0x80000047;
	[dreg:$0x6] =	wrdreg s23  }
0x6: {  	s9 =	sadd.s32 $0x20, s4;
	[dreg:$0x8] =	wrdreg s24  }
0x7: {  	s0 =	srdreg.scid;
	s26 =	sadd.s32 $0x30, s4;
	[dreg:$0x9] =	wrdreg s9  }
0x8: {  	s2 =	stileid.u32;
	s10 =	sadd.s32 $0x40, s4;
	[dreg:$0xc] =	wrdreg s26  }
0x9: {  	s0 =	sand.u32 $0x1, s0;
	s11 =	sadd.s32 $0x50, s4;
	[dreg:$0xf] =	wrdreg s10  }
0xa: {  	s2 =	sshll.u32 s2, $0x7;
	s31 =	sadd.s32 $0x20, s6;
	[dreg:$0x11] =	wrdreg s11  }
0xb: {  	s12 =	sadd.s32 $0x30, s6;
	s14 =	sadd.s32 $0x40, s6;
	[dreg:$0xd] =	wrdreg s31  }
0xc: {  	s1 =	ssub.s32 $0x2, s0;
	s0 =	sshll.u32 s0, $0x6;
	[dreg:$0x15] =	wrdreg s12  }
0xd: {  	s15 =	sadd.s32 $0x50, s6;
	[dreg:$0x18] =	wrdreg s14;
	s8 =	sor.u32 s0, s2  }
0xe: {  	s16 =	sadd.s32 $0x60, s6;
	[dreg:$0x1a] =	wrdreg s15;
	s20 =	sshll.u32 s8, $0xA  }
0xf: {  	[dreg:$0x1b] =	wrdreg s16;
	s2 =	sshll.u32 s8, $0x7;
	s21 =	sadd.s32 s4, s20  }
0x10: {  	s3 =	sshrl.u32 s1, $0x1;
	s22 =	sadd.s32 s6, s2;
	[dreg:$0x4] =	wrdreg s21  }
0x11: {  	s19 =	ssub.s32 s1, s3;
	s3 =	sadd.s32 s20, s23;
	[dreg:$0x5] =	wrdreg s22  }
0x12: {  	s25 =	sadd.s32 s20, s9;
	[dreg:$0x7] =	wrdreg s3  }
0x13: {  	s13 =	sadd.s32 s2, s31;
	[dreg:$0xb] =	wrdreg s25  }
0x14: {  	s28 =	simm.s32 $0x7;
	s17 =	sadd.s32 s2, s16;
	[dreg:$0x16] =	wrdreg s13  }
0x15: {  	s30 =	simm.s32 $0x8;
	s0 =	smax.u32 s19, $0x1;
	[dreg:$0x1d] =	wrdreg s17  }
0x16: {  	s29 =	sadd.s32 $0x70, s7;
	s19 =	sadd.s32 $0x70, s4;
	[dreg:$0x1e] =	wrdreg s0  }
0x17: {  	s18 =	sshrl.u32 s8, $0x3;
	s31 =	sadd.s32 $0x50, s7;
	[dreg:$0x1f] =	wrdreg s19  }
0x18: {  	s23 =	smov.u32 s8;
	s3 =	sadd.s32 s2, s24;
	[smem:$0x7FD] =	sst s31  }
0x19: {  	s9 =	simm.s32 $0xA000;
	s21 =	sor.u32 $0x8, s8;
	[dreg:$0xa] =	wrdreg s3  }
0x1a: {  	s16 =	simm.s32 $0x2;
	s22 =	sadd.s32 $0x10, s7;
	[smem:$0x7F8] =	sst s21  }
0x1b: {  	s24 =	sadd.s32 $0x20, s7;
	s25 =	sadd.s32 $0x30, s7;
	[smem:$0x7F9] =	sst s22  }
0x1c: {  	s0 =	sor.u32 $0x1, s18;
	s13 =	simm.s32 $0x0;
	[smem:$0x7FA] =	sst s24  }
0x1d: {  	s3 =	sadd.s32 s20, s26;
	[smem:$0x7FB] =	sst s25;
	s26 =	sadd.s32 $0x40, s7  }
0x1e: {  	s25 =	smov.u32 s18;
	s18 =	simm.s32 $0x3;
	s21 =	simm.s32 $0x5  }
0x1f: {  	s24 =	simm.s32 $0x6;
	[dreg:$0xe] =	wrdreg s3;
	s3 =	sadd.s32 s20, s10  }
0x20: {  	s10 =	sadd.s32 $0x60, s4;
	[smem:$0x7FC] =	sst s26;
	s26 =	sadd.s32 $0x60, s7  }
0x21: {  	s4 =	simm.s32 $0x80;
	s7 =	simm.s32 $0x400;
	[dreg:$0x10] =	wrdreg s3  }
0x22: {  	s3 =	sadd.s32 s20, s11;
	[dreg:$0x12] =	wrdreg s10;
	s1 =	sadd.s32 s20, s10  }
0x23: {  	s20 =	sadd.s32 $0x70, s6;
	s6 =	simm.s32 $0x8000;
	[dreg:$0x13] =	wrdreg s3  }
0x24: {  	s11 =	simm.s32 $0xC000;
	[dreg:$0x14] =	wrdreg s1;
	s1 =	sadd.s32 s2, s12  }
0x25: {  	[smem:$0x7F7] =	sst s20;
	s3 =	simm.s32 $0x6000;
	s12 =	simm.s32 $0xE000  }
0x26: {  	s20 =	simm.s32 $0x4;
	[dreg:$0x17] =	wrdreg s1;
	s1 =	sadd.s32 s2, s14  }
0x27: {  	[dreg:$0x19] =	wrdreg s1;
	s1 =	sadd.s32 s2, s15;
	s2 =	simm.s32 $0x4000  }
0x28: {  	s15 =	simm.s32 $0x1;
	[dreg:$0x1c] =	wrdreg s1;
	s1 =	simm.s32 $0x2000  }
.LBB2_1:
0x29: {  	[smem:$0x7F6] =	sst s13  }
0x2a: {  	s8 =	rddreg [dreg:$0x4]  }
0x2b: {  	[tilespmem:s5], [sflag:$0x1] =	stream.strided.gather [hbm4b:s8+s4], $0x2000, s7, s4, $0x38;
	[tilespmem:$0x14000] =	vst v63  }
0x2c: {  	s22 =	rddreg [dreg:$0x5];
	s10 =	simm.s32 $0x10000  }
0x2d: {  	[tilespmem:s10], [sflag:$0x1] =	stream.strided.gather [hbm4b:s22+s4], $0x400, s7, s4, $0x38;
	[tilespmem:$0x14000] =	vst v63  }
0x2e: {  	s10 =	rddreg [dreg:$0x7]  }
0x2f: {  	[tilespmem:s1], [sflag:$0x2] =	stream.strided.gather [hbm4b:s10+s4], $0x2000, s7, s4, $0x38;
	[tilespmem:$0x14000] =	vst v63  }
0x30: {  	s13 =	rddreg [dreg:$0xa];
	s14 =	simm.s32 $0x10400  }
0x31: {  	[tilespmem:s14], [sflag:$0x2] =	stream.strided.gather [hbm4b:s13+s4], $0x400, s7, s4, $0x38;
	[tilespmem:$0x14000] =	vst v63  }
0x32: {  	s17 =	rddreg [dreg:$0xb]  }
0x33: {  	[tilespmem:s2], [sflag:$0x3] =	stream.strided.gather [hbm4b:s17+s4], $0x2000, s7, s4, $0x38;
	[tilespmem:$0x14000] =	vst v63  }
0x34: {  	s19 =	rddreg [dreg:$0x16];
	s22 =	simm.s32 $0x10800  }
0x35: {  	[tilespmem:s22], [sflag:$0x3] =	stream.strided.gather [hbm4b:s19+s4], $0x400, s7, s4, $0x38;
	[tilespmem:$0x14000] =	vst v63  }
0x36: {  	s10 =	rddreg [dreg:$0xe]  }
0x37: {  	[tilespmem:s3], [sflag:$0x4] =	stream.strided.gather [hbm4b:s10+s4], $0x2000, s7, s4, $0x38;
	[tilespmem:$0x14000] =	vst v63  }
0x38: {  	s13 =	rddreg [dreg:$0x17];
	s14 =	simm.s32 $0x10C00  }
0x39: {  	[tilespmem:s14], [sflag:$0x4] =	stream.strided.gather [hbm4b:s13+s4], $0x400, s7, s4, $0x38;
	[tilespmem:$0x14000] =	vst v63  }
0x3a: {  	s17 =	rddreg [dreg:$0x10]  }
0x3b: {  	[tilespmem:s6], [sflag:$0x5] =	stream.strided.gather [hbm4b:s17+s4], $0x2000, s7, s4, $0x38;
	[tilespmem:$0x14000] =	vst v63  }
0x3c: {  	s19 =	rddreg [dreg:$0x19];
	s22 =	simm.s32 $0x11000  }
0x3d: {  	[tilespmem:s22], [sflag:$0x5] =	stream.strided.gather [hbm4b:s19+s4], $0x400, s7, s4, $0x38;
	[tilespmem:$0x14000] =	vst v63  }
0x3e: {  	s10 =	rddreg [dreg:$0x13]  }
0x3f: {  	[tilespmem:s9], [sflag:$0x6] =	stream.strided.gather [hbm4b:s10+s4], $0x2000, s7, s4, $0x38;
	[tilespmem:$0x14000] =	vst v63  }
0x40: {  	s13 =	rddreg [dreg:$0x1c];
	s14 =	simm.s32 $0x11400  }
0x41: {  	[tilespmem:s14], [sflag:$0x6] =	stream.strided.gather [hbm4b:s13+s4], $0x400, s7, s4, $0x38;
	[tilespmem:$0x14000] =	vst v63  }
0x42: {  	s17 =	rddreg [dreg:$0x14]  }
0x43: {  	[tilespmem:s11], [sflag:$0x7] =	stream.strided.gather [hbm4b:s17+s4], $0x2000, s7, s4, $0x38;
	[tilespmem:$0x14000] =	vst v63  }
0x44: {  	s31 =	simm.s32 $0x0;
	s19 =	rddreg [dreg:$0x1d];
	s22 =	simm.s32 $0x11800  }
0x45: {  	[tilespmem:s22], [sflag:$0x7] =	stream.strided.gather [hbm4b:s19+s4], $0x400, s7, s4, $0x38;
	[tilespmem:$0x14000] =	vst v63  }
.LBB2_2:
0x46: {  	s8 =	sor.u32 s25, s31;
	s13 =	rddreg [dreg:$0x1f]  }
0x47: {  	s14 =	sld [smem:$0x7F7];
	s10 =	sshll.u32 s8, $0xD  }
0x48: {  	s8 =	sshll.u32 s8, $0xA;
	s10 =	sadd.s32 s10, s13  }
0x49: {  	[tilespmem:s12], [sflag:$0x8] =	stream.strided.gather [hbm4b:s10+s4], $0x2000, s7, s4, $0x38;
	[tilespmem:$0x14000] =	vst v63  }
0x4a: {  	s17 =	simm.s32 $0x11C00;
	s8 =	sadd.s32 s8, s14  }
0x4b: {  	[tilespmem:s17], [sflag:$0x8] =	stream.strided.gather [hbm4b:s8+s4], $0x400, s7, s4, $0x38;
	[tilespmem:$0x14000] =	vst v63  }
0x4c: {  	_ =	swait.ge [sflag:s15], $0x2000  }
0x4d: {  	[sflag:s15] =	ssyncset.done $0x0  }
0x4e: {  	[sflag:s15] =	ssyncadd.s32 $0xFFFFE000  }
0x4f: {  	_ =	swait.ge [sflag:s15], $0x400  }
0x50: {  	p0 =	seq.s32 s31, $0x0;
	[sflag:s15] =	ssyncset.done $0x0  }
0x51: {  	s8 =	simm.s32 @!p0 $0x9;
	[sflag:s15] =	ssyncadd.s32 $0xFFFFFC00  }
0x52: {  	_ =	swait.ge @!p0 [sflag:s8], $0x400  }
0x53: {  	[sflag:s8] =	ssyncset.done @!p0 $0x0  }
0x54: {  	s19 =	simm.s32 $0x10020;
	[sflag:s8] =	ssyncadd.s32 @!p0 $0xFFFFFC00  }
0x55: {  	v0 =	vld [tilespmem:s19+$0x10];
	_ =	sdelay $0x1  }
0x56: {  	v2 =	vld [tilespmem:s19+$0xFFFFFFE0]  }
0x57: {  	v3 =	vld [tilespmem:s19+$0xFFFFFFF0]  }
0x58: {  	s22 =	simm.s32 $0x10060;
	v5 =	vld [tilespmem:s19+$0x0]  }
0x59: {  	v7 =	vld [tilespmem:s22+$0x10]  }
0x5a: {  	v1 =	vld [tilespmem:s22+$0xFFFFFFF0]  }
0x5b: {  	v6 =	vld [tilespmem:s22+$0xFFFFFFE0]  }
0x5c: {  	v8 =	vld.idx.msk [tilespmem:v0+s5+$0x0], $0xffff  }
0x5d: {  	v0 =	vld [tilespmem:s22+$0x0]  }
0x5e: {  	v4 =	vld.idx.msk [tilespmem:v2+s5+$0x0], $0xffff  }
0x5f: {  	v2 =	vld.idx.msk [tilespmem:v3+s5+$0x0], $0xffff  }
0x60: {  	s8 =	simm.s32 $0x12020;
	v3 =	vld.idx.msk [tilespmem:v5+s5+$0x0], $0xffff  }
0x61: {  	s13 =	simm.s32 $0x40;
	s10 =	sshll.u32 s31, $0x3;
	s14 =	simm.s32 $0x100A0;
	v5 =	vld.idx.msk [tilespmem:v7+s5+$0x0], $0xffff;
	[tilespmem:s8+$0x10] =	vst v8  }
.LBB2_3:
0x62: {  	v7 =	vld [tilespmem:s14+$0x10];
	s13 =	sadd.s32 $0x40, s13  }
0x63: {  	v8 =	vld [tilespmem:s14+$0xFFFFFFF0];
	p1 =	slt.u32 s13, $0x3C0;
	[tilespmem:s8+$0xFFFFFFE0] =	vst v4  }
0x64: {  	v9 =	vld [tilespmem:s14+$0x0];
	[tilespmem:s8+$0xFFFFFFF0] =	vst v2  }
0x65: {  	v10 =	vld [tilespmem:s14+$0xFFFFFFE0];
	[tilespmem:s8+$0x0] =	vst v3  }
.Ltmp0:
0x66: {  	s8 =	sadd.s32 $0x40, s8;
	v4 =	vld.idx.msk [tilespmem:v6+s5+$0x0], $0xffff;
	(pc) =	sbr.rel @p1 .LBB2_3-.Ltmp0, $4  }
0x67: {  	v2 =	vld.idx.msk [tilespmem:v1+s5+$0x0], $0xffff;
	[tilespmem:s8+$0x10] =	vst v5  }
0x68: {  	v3 =	vld.idx.msk [tilespmem:v0+s5+$0x0], $0xffff;
	v1 =	vmov v8  }
0x69: {  	v0 =	vmov v9  }
0x6a: {  	s14 =	sadd.s32 $0x40, s14;
	v5 =	vld.idx.msk [tilespmem:v7+s5+$0x0], $0xffff;
	v6 =	vmov v10  }
0x6b: {  	_ =	sdelay $0x3  }
0x6c: {  	v6 =	vld.idx.msk [tilespmem:v6+s5+$0x0], $0xffff  }
0x6d: {  	[tilespmem:s8+$0xFFFFFFE0] =	vst v4;
	v1 =	vld.idx.msk [tilespmem:v1+s5+$0x0], $0xffff  }
0x6e: {  	v0 =	vld.idx.msk [tilespmem:v0+s5+$0x0], $0xffff;
	[tilespmem:s8+$0xFFFFFFF0] =	vst v2  }
0x6f: {  	s13 =	sadd.s32 $0x40, s8;
	[tilespmem:s8+$0x0] =	vst v3  }
0x70: {  	[tilespmem:s13+$0x10] =	vst v5  }
0x71: {  	s14 =	sor.u32 s23, s10;
	[tilespmem:s13+$0xFFFFFFE0] =	vst v6  }
0x72: {  	s17 =	rddreg [dreg:$0x2];
	s8 =	sshll.u32 s14, $0x7;
	[tilespmem:s13+$0xFFFFFFF0] =	vst v1  }
0x73: {  	s14 =	simm.s32 $0x12000;
	[tilespmem:s13+$0x0] =	vst v0;
	s13 =	sadd.s32 s17, s8  }
0x74: {  	[hbm4b:s13+s4] =	stream.strided.scatter [tilespmem:s14], [sflag:$0x9], $0x400, s7, s4, $0x38;
	[tilespmem:$0x14000] =	vst v63  }
0x75: {  	s13 =	sld [smem:$0x7F8];
	_ =	sdelay $0x1  }
0x76: {  	p1 =	seq.s32 s31, $0x7  }
0x77: {  	s10 =	sadd.s32 @!p1 s10, s13  }
0x78: {  	s19 =	simm.s32 @!p1 $0x0;
	s14 =	rddreg [dreg:$0x0];
	s13 =	sshll.u32 @!p1 s10, $0xA  }
0x79: {  	s17 =	simm.s32 @!p1 $0x400;
	s13 =	sadd.s32 @!p1 s14, s13;
	s14 =	simm.s32 @!p1 $0x80  }
0x7a: {  	[tilespmem:s19], [sflag:$0x1] =	stream.strided.gather @!p1 [hbm4b:s13+s14], $0x2000, s17, s14, $0x38;
	[tilespmem:$0x14000] =	vst v63  }
0x7b: {  	s10 =	sshll.u32 @!p1 s10, $0x7;
	s13 =	rddreg [dreg:$0x1]  }
0x7c: {  	s10 =	sadd.s32 @!p1 s13, s10;
	s13 =	simm.s32 @!p1 $0x10000  }
0x7d: {  	[tilespmem:s13], [sflag:$0x1] =	stream.strided.gather @!p1 [hbm4b:s10+s14], $0x400, s17, s14, $0x38;
	[tilespmem:$0x14000] =	vst v63  }
0x7e: {  	_ =	swait.ge [sflag:s16], $0x2000  }
0x7f: {  	[sflag:s16] =	ssyncset.done $0x0  }
0x80: {  	[sflag:s16] =	ssyncadd.s32 $0xFFFFE000  }
0x81: {  	_ =	swait.ge [sflag:s16], $0x400  }
0x82: {  	[sflag:s16] =	ssyncset.done $0x0  }
0x83: {  	s10 =	simm.s32 @!p0 $0xA;
	[sflag:s16] =	ssyncadd.s32 $0xFFFFFC00  }
0x84: {  	_ =	swait.ge @!p0 [sflag:s10], $0x400  }
0x85: {  	[sflag:s10] =	ssyncset.done @!p0 $0x0  }
0x86: {  	s19 =	simm.s32 $0x10420;
	[sflag:s10] =	ssyncadd.s32 @!p0 $0xFFFFFC00  }
0x87: {  	v0 =	vld [tilespmem:s19+$0x10];
	_ =	sdelay $0x1  }
0x88: {  	v2 =	vld [tilespmem:s19+$0xFFFFFFE0]  }
0x89: {  	v3 =	vld [tilespmem:s19+$0xFFFFFFF0]  }
0x8a: {  	s22 =	simm.s32 $0x10460;
	v4 =	vld [tilespmem:s19+$0x0]  }
0x8b: {  	v7 =	vld [tilespmem:s22+$0x10]  }
0x8c: {  	v1 =	vld [tilespmem:s22+$0xFFFFFFF0]  }
0x8d: {  	v6 =	vld [tilespmem:s22+$0xFFFFFFE0]  }
0x8e: {  	v8 =	vld.idx.msk [tilespmem:v0+s1+$0x0], $0xffff  }
0x8f: {  	v0 =	vld [tilespmem:s22+$0x0]  }
0x90: {  	v5 =	vld.idx.msk [tilespmem:v2+s1+$0x0], $0xffff  }
0x91: {  	v2 =	vld.idx.msk [tilespmem:v3+s1+$0x0], $0xffff  }
0x92: {  	s10 =	simm.s32 $0x12420;
	v3 =	vld.idx.msk [tilespmem:v4+s1+$0x0], $0xffff  }
0x93: {  	s13 =	simm.s32 $0x40;
	s14 =	simm.s32 $0x104A0;
	v4 =	vld.idx.msk [tilespmem:v7+s1+$0x0], $0xffff;
	[tilespmem:s10+$0x10] =	vst v8  }
.LBB2_5:
0x94: {  	v7 =	vld [tilespmem:s14+$0x10];
	s13 =	sadd.s32 $0x40, s13  }
0x95: {  	v8 =	vld [tilespmem:s14+$0xFFFFFFF0];
	p2 =	slt.u32 s13, $0x3C0;
	[tilespmem:s10+$0xFFFFFFE0] =	vst v5  }
0x96: {  	v9 =	vld [tilespmem:s14+$0x0];
	[tilespmem:s10+$0xFFFFFFF0] =	vst v2  }
0x97: {  	v10 =	vld [tilespmem:s14+$0xFFFFFFE0];
	[tilespmem:s10+$0x0] =	vst v3  }
.Ltmp1:
0x98: {  	s10 =	sadd.s32 $0x40, s10;
	v5 =	vld.idx.msk [tilespmem:v6+s1+$0x0], $0xffff;
	(pc) =	sbr.rel @p2 .LBB2_5-.Ltmp1, $4  }
0x99: {  	v2 =	vld.idx.msk [tilespmem:v1+s1+$0x0], $0xffff;
	[tilespmem:s10+$0x10] =	vst v4  }
0x9a: {  	v3 =	vld.idx.msk [tilespmem:v0+s1+$0x0], $0xffff;
	v1 =	vmov v8  }
0x9b: {  	v0 =	vmov v9  }
0x9c: {  	s14 =	sadd.s32 $0x40, s14;
	v4 =	vld.idx.msk [tilespmem:v7+s1+$0x0], $0xffff;
	v6 =	vmov v10  }
0x9d: {  	_ =	sdelay $0x3  }
0x9e: {  	v6 =	vld.idx.msk [tilespmem:v6+s1+$0x0], $0xffff  }
0x9f: {  	[tilespmem:s10+$0xFFFFFFE0] =	vst v5;
	v1 =	vld.idx.msk [tilespmem:v1+s1+$0x0], $0xffff  }
0xa0: {  	v0 =	vld.idx.msk [tilespmem:v0+s1+$0x0], $0xffff;
	[tilespmem:s10+$0xFFFFFFF0] =	vst v2  }
0xa1: {  	s17 =	sadd.s32 $0x40, s10;
	[tilespmem:s10+$0x0] =	vst v3  }
0xa2: {  	[tilespmem:s17+$0x10] =	vst v4  }
0xa3: {  	[tilespmem:s17+$0xFFFFFFE0] =	vst v6  }
0xa4: {  	[tilespmem:s17+$0xFFFFFFF0] =	vst v1  }
0xa5: {  	[tilespmem:s17+$0x0] =	vst v0  }
0xa6: {  	s10 =	sld [smem:$0x7F9];
	_ =	sdelay $0x2  }
0xa7: {  	s13 =	simm.s32 $0x12400;
	s10 =	sadd.s32 s8, s10  }
0xa8: {  	[hbm4b:s10+s4] =	stream.strided.scatter [tilespmem:s13], [sflag:$0xA], $0x400, s7, s4, $0x38;
	[tilespmem:$0x14000] =	vst v63  }
0xa9: {  	s13 =	sadd.s32 @!p1 s31, s0  }
0xaa: {  	s19 =	simm.s32 @!p1 $0x400;
	s14 =	rddreg [dreg:$0x6];
	s10 =	sshll.u32 @!p1 s13, $0xD  }
0xab: {  	s22 =	simm.s32 @!p1 $0x2000;
	s17 =	simm.s32 @!p1 $0x80;
	s14 =	sadd.s32 @!p1 s10, s14  }
0xac: {  	[tilespmem:s22], [sflag:$0x2] =	stream.strided.gather @!p1 [hbm4b:s14+s17], $0x2000, s19, s17, $0x38;
	[tilespmem:$0x14000] =	vst v63  }
0xad: {  	s13 =	sshll.u32 @!p1 s13, $0xA;
	s14 =	rddreg [dreg:$0x8]  }
0xae: {  	s22 =	simm.s32 @!p1 $0x10400;
	s14 =	sadd.s32 @!p1 s13, s14  }
0xaf: {  	[tilespmem:s22], [sflag:$0x2] =	stream.strided.gather @!p1 [hbm4b:s14+s17], $0x400, s19, s17, $0x38;
	[tilespmem:$0x14000] =	vst v63  }
0xb0: {  	_ =	swait.ge [sflag:s18], $0x2000  }
0xb1: {  	[sflag:s18] =	ssyncset.done $0x0  }
0xb2: {  	[sflag:s18] =	ssyncadd.s32 $0xFFFFE000  }
0xb3: {  	_ =	swait.ge [sflag:s18], $0x400  }
0xb4: {  	[sflag:s18] =	ssyncset.done $0x0  }
0xb5: {  	s14 =	simm.s32 @!p0 $0xB;
	[sflag:s18] =	ssyncadd.s32 $0xFFFFFC00  }
0xb6: {  	_ =	swait.ge @!p0 [sflag:s14], $0x400  }
0xb7: {  	[sflag:s14] =	ssyncset.done @!p0 $0x0  }
0xb8: {  	s19 =	simm.s32 $0x10820;
	[sflag:s14] =	ssyncadd.s32 @!p0 $0xFFFFFC00  }
0xb9: {  	v0 =	vld [tilespmem:s19+$0x10];
	_ =	sdelay $0x1  }
0xba: {  	v2 =	vld [tilespmem:s19+$0xFFFFFFE0]  }
0xbb: {  	v3 =	vld [tilespmem:s19+$0xFFFFFFF0]  }
0xbc: {  	s22 =	simm.s32 $0x10860;
	v4 =	vld [tilespmem:s19+$0x0]  }
0xbd: {  	v7 =	vld [tilespmem:s22+$0x10]  }
0xbe: {  	v1 =	vld [tilespmem:s22+$0xFFFFFFF0]  }
0xbf: {  	v6 =	vld [tilespmem:s22+$0xFFFFFFE0]  }
0xc0: {  	v8 =	vld.idx.msk [tilespmem:v0+s2+$0x0], $0xffff  }
0xc1: {  	v0 =	vld [tilespmem:s22+$0x0]  }
0xc2: {  	v5 =	vld.idx.msk [tilespmem:v2+s2+$0x0], $0xffff  }
0xc3: {  	v2 =	vld.idx.msk [tilespmem:v3+s2+$0x0], $0xffff  }
0xc4: {  	s14 =	simm.s32 $0x12820;
	v3 =	vld.idx.msk [tilespmem:v4+s2+$0x0], $0xffff  }
0xc5: {  	s17 =	simm.s32 $0x40;
	s19 =	simm.s32 $0x108A0;
	v4 =	vld.idx.msk [tilespmem:v7+s2+$0x0], $0xffff;
	[tilespmem:s14+$0x10] =	vst v8  }
.LBB2_7:
0xc6: {  	v7 =	vld [tilespmem:s19+$0x10];
	s17 =	sadd.s32 $0x40, s17  }
0xc7: {  	v8 =	vld [tilespmem:s19+$0xFFFFFFF0];
	p2 =	slt.u32 s17, $0x3C0;
	[tilespmem:s14+$0xFFFFFFE0] =	vst v5  }
0xc8: {  	v9 =	vld [tilespmem:s19+$0x0];
	[tilespmem:s14+$0xFFFFFFF0] =	vst v2  }
0xc9: {  	v10 =	vld [tilespmem:s19+$0xFFFFFFE0];
	[tilespmem:s14+$0x0] =	vst v3  }
.Ltmp2:
0xca: {  	s14 =	sadd.s32 $0x40, s14;
	v5 =	vld.idx.msk [tilespmem:v6+s2+$0x0], $0xffff;
	(pc) =	sbr.rel @p2 .LBB2_7-.Ltmp2, $4  }
0xcb: {  	v2 =	vld.idx.msk [tilespmem:v1+s2+$0x0], $0xffff;
	[tilespmem:s14+$0x10] =	vst v4  }
0xcc: {  	v3 =	vld.idx.msk [tilespmem:v0+s2+$0x0], $0xffff;
	v1 =	vmov v8  }
0xcd: {  	v0 =	vmov v9  }
0xce: {  	s19 =	sadd.s32 $0x40, s19;
	v4 =	vld.idx.msk [tilespmem:v7+s2+$0x0], $0xffff;
	v6 =	vmov v10  }
0xcf: {  	_ =	sdelay $0x3  }
0xd0: {  	v6 =	vld.idx.msk [tilespmem:v6+s2+$0x0], $0xffff  }
0xd1: {  	[tilespmem:s14+$0xFFFFFFE0] =	vst v5;
	v1 =	vld.idx.msk [tilespmem:v1+s2+$0x0], $0xffff  }
0xd2: {  	v0 =	vld.idx.msk [tilespmem:v0+s2+$0x0], $0xffff;
	[tilespmem:s14+$0xFFFFFFF0] =	vst v2  }
0xd3: {  	s17 =	sadd.s32 $0x40, s14;
	[tilespmem:s14+$0x0] =	vst v3  }
0xd4: {  	[tilespmem:s17+$0x10] =	vst v4  }
0xd5: {  	[tilespmem:s17+$0xFFFFFFE0] =	vst v6  }
0xd6: {  	[tilespmem:s17+$0xFFFFFFF0] =	vst v1  }
0xd7: {  	[tilespmem:s17+$0x0] =	vst v0  }
0xd8: {  	s14 =	sld [smem:$0x7FA];
	_ =	sdelay $0x2  }
0xd9: {  	s17 =	simm.s32 $0x12800;
	s14 =	sadd.s32 s8, s14  }
0xda: {  	[hbm4b:s14+s4] =	stream.strided.scatter [tilespmem:s17], [sflag:$0xB], $0x400, s7, s4, $0x38;
	[tilespmem:$0x14000] =	vst v63  }
0xdb: {  	s19 =	simm.s32 @!p1 $0x400;
	s14 =	rddreg [dreg:$0x9]  }
0xdc: {  	s22 =	simm.s32 @!p1 $0x4000;
	s17 =	simm.s32 @!p1 $0x80;
	s14 =	sadd.s32 @!p1 s10, s14  }
0xdd: {  	[tilespmem:s22], [sflag:$0x3] =	stream.strided.gather @!p1 [hbm4b:s14+s17], $0x2000, s19, s17, $0x38;
	[tilespmem:$0x14000] =	vst v63  }
0xde: {  	s14 =	rddreg [dreg:$0xd]  }
0xdf: {  	s22 =	simm.s32 @!p1 $0x10800;
	s14 =	sadd.s32 @!p1 s13, s14  }
0xe0: {  	[tilespmem:s22], [sflag:$0x3] =	stream.strided.gather @!p1 [hbm4b:s14+s17], $0x400, s19, s17, $0x38;
	[tilespmem:$0x14000] =	vst v63  }
0xe1: {  	_ =	swait.ge [sflag:s20], $0x2000  }
0xe2: {  	[sflag:s20] =	ssyncset.done $0x0  }
0xe3: {  	[sflag:s20] =	ssyncadd.s32 $0xFFFFE000  }
0xe4: {  	_ =	swait.ge [sflag:s20], $0x400  }
0xe5: {  	[sflag:s20] =	ssyncset.done $0x0  }
0xe6: {  	s14 =	simm.s32 @!p0 $0xC;
	[sflag:s20] =	ssyncadd.s32 $0xFFFFFC00  }
0xe7: {  	_ =	swait.ge @!p0 [sflag:s14], $0x400  }
0xe8: {  	[sflag:s14] =	ssyncset.done @!p0 $0x0  }
0xe9: {  	s19 =	simm.s32 $0x10C20;
	[sflag:s14] =	ssyncadd.s32 @!p0 $0xFFFFFC00  }
0xea: {  	v0 =	vld [tilespmem:s19+$0x10];
	_ =	sdelay $0x1  }
0xeb: {  	v2 =	vld [tilespmem:s19+$0xFFFFFFE0]  }
0xec: {  	v3 =	vld [tilespmem:s19+$0xFFFFFFF0]  }
0xed: {  	s22 =	simm.s32 $0x10C60;
	v4 =	vld [tilespmem:s19+$0x0]  }
0xee: {  	v7 =	vld [tilespmem:s22+$0x10]  }
0xef: {  	v1 =	vld [tilespmem:s22+$0xFFFFFFF0]  }
0xf0: {  	v6 =	vld [tilespmem:s22+$0xFFFFFFE0]  }
0xf1: {  	v8 =	vld.idx.msk [tilespmem:v0+s3+$0x0], $0xffff  }
0xf2: {  	v0 =	vld [tilespmem:s22+$0x0]  }
0xf3: {  	v5 =	vld.idx.msk [tilespmem:v2+s3+$0x0], $0xffff  }
0xf4: {  	v2 =	vld.idx.msk [tilespmem:v3+s3+$0x0], $0xffff  }
0xf5: {  	s14 =	simm.s32 $0x12C20;
	v3 =	vld.idx.msk [tilespmem:v4+s3+$0x0], $0xffff  }
0xf6: {  	s17 =	simm.s32 $0x40;
	s19 =	simm.s32 $0x10CA0;
	v4 =	vld.idx.msk [tilespmem:v7+s3+$0x0], $0xffff;
	[tilespmem:s14+$0x10] =	vst v8  }
.LBB2_9:
0xf7: {  	v7 =	vld [tilespmem:s19+$0x10];
	s17 =	sadd.s32 $0x40, s17  }
0xf8: {  	v8 =	vld [tilespmem:s19+$0xFFFFFFF0];
	p2 =	slt.u32 s17, $0x3C0;
	[tilespmem:s14+$0xFFFFFFE0] =	vst v5  }
0xf9: {  	v9 =	vld [tilespmem:s19+$0x0];
	[tilespmem:s14+$0xFFFFFFF0] =	vst v2  }
0xfa: {  	v10 =	vld [tilespmem:s19+$0xFFFFFFE0];
	[tilespmem:s14+$0x0] =	vst v3  }
.Ltmp3:
0xfb: {  	s14 =	sadd.s32 $0x40, s14;
	v5 =	vld.idx.msk [tilespmem:v6+s3+$0x0], $0xffff;
	(pc) =	sbr.rel @p2 .LBB2_9-.Ltmp3, $4  }
0xfc: {  	v2 =	vld.idx.msk [tilespmem:v1+s3+$0x0], $0xffff;
	[tilespmem:s14+$0x10] =	vst v4  }
0xfd: {  	v3 =	vld.idx.msk [tilespmem:v0+s3+$0x0], $0xffff;
	v1 =	vmov v8  }
0xfe: {  	v0 =	vmov v9  }
0xff: {  	s19 =	sadd.s32 $0x40, s19;
	v4 =	vld.idx.msk [tilespmem:v7+s3+$0x0], $0xffff;
	v6 =	vmov v10  }
0x100: {  	_ =	sdelay $0x3  }
0x101: {  	v6 =	vld.idx.msk [tilespmem:v6+s3+$0x0], $0xffff  }
0x102: {  	[tilespmem:s14+$0xFFFFFFE0] =	vst v5;
	v1 =	vld.idx.msk [tilespmem:v1+s3+$0x0], $0xffff  }
0x103: {  	v0 =	vld.idx.msk [tilespmem:v0+s3+$0x0], $0xffff;
	[tilespmem:s14+$0xFFFFFFF0] =	vst v2  }
0x104: {  	s17 =	sadd.s32 $0x40, s14;
	[tilespmem:s14+$0x0] =	vst v3  }
0x105: {  	[tilespmem:s17+$0x10] =	vst v4  }
0x106: {  	[tilespmem:s17+$0xFFFFFFE0] =	vst v6  }
0x107: {  	[tilespmem:s17+$0xFFFFFFF0] =	vst v1  }
0x108: {  	[tilespmem:s17+$0x0] =	vst v0  }
0x109: {  	s14 =	sld [smem:$0x7FB];
	_ =	sdelay $0x2  }
0x10a: {  	s17 =	simm.s32 $0x12C00;
	s14 =	sadd.s32 s8, s14  }
0x10b: {  	[hbm4b:s14+s4] =	stream.strided.scatter [tilespmem:s17], [sflag:$0xC], $0x400, s7, s4, $0x38;
	[tilespmem:$0x14000] =	vst v63  }
0x10c: {  	s19 =	simm.s32 @!p1 $0x400;
	s14 =	rddreg [dreg:$0xc]  }
0x10d: {  	s22 =	simm.s32 @!p1 $0x6000;
	s17 =	simm.s32 @!p1 $0x80;
	s14 =	sadd.s32 @!p1 s10, s14  }
0x10e: {  	[tilespmem:s22], [sflag:$0x4] =	stream.strided.gather @!p1 [hbm4b:s14+s17], $0x2000, s19, s17, $0x38;
	[tilespmem:$0x14000] =	vst v63  }
0x10f: {  	s14 =	rddreg [dreg:$0x15]  }
0x110: {  	s22 =	simm.s32 @!p1 $0x10C00;
	s14 =	sadd.s32 @!p1 s13, s14  }
0x111: {  	[tilespmem:s22], [sflag:$0x4] =	stream.strided.gather @!p1 [hbm4b:s14+s17], $0x400, s19, s17, $0x38;
	[tilespmem:$0x14000] =	vst v63  }
0x112: {  	_ =	swait.ge [sflag:s21], $0x2000  }
0x113: {  	[sflag:s21] =	ssyncset.done $0x0  }
0x114: {  	[sflag:s21] =	ssyncadd.s32 $0xFFFFE000  }
0x115: {  	_ =	swait.ge [sflag:s21], $0x400  }
0x116: {  	[sflag:s21] =	ssyncset.done $0x0  }
0x117: {  	s14 =	simm.s32 @!p0 $0xD;
	[sflag:s21] =	ssyncadd.s32 $0xFFFFFC00  }
0x118: {  	_ =	swait.ge @!p0 [sflag:s14], $0x400  }
0x119: {  	[sflag:s14] =	ssyncset.done @!p0 $0x0  }
0x11a: {  	s19 =	simm.s32 $0x11020;
	[sflag:s14] =	ssyncadd.s32 @!p0 $0xFFFFFC00  }
0x11b: {  	v0 =	vld [tilespmem:s19+$0x10];
	_ =	sdelay $0x1  }
0x11c: {  	v2 =	vld [tilespmem:s19+$0xFFFFFFE0]  }
0x11d: {  	v3 =	vld [tilespmem:s19+$0xFFFFFFF0]  }
0x11e: {  	s22 =	simm.s32 $0x11060;
	v4 =	vld [tilespmem:s19+$0x0]  }
0x11f: {  	v7 =	vld [tilespmem:s22+$0x10]  }
0x120: {  	v1 =	vld [tilespmem:s22+$0xFFFFFFF0]  }
0x121: {  	v6 =	vld [tilespmem:s22+$0xFFFFFFE0]  }
0x122: {  	v8 =	vld.idx.msk [tilespmem:v0+s6+$0x0], $0xffff  }
0x123: {  	v0 =	vld [tilespmem:s22+$0x0]  }
0x124: {  	v5 =	vld.idx.msk [tilespmem:v2+s6+$0x0], $0xffff  }
0x125: {  	v2 =	vld.idx.msk [tilespmem:v3+s6+$0x0], $0xffff  }
0x126: {  	s14 =	simm.s32 $0x13020;
	v3 =	vld.idx.msk [tilespmem:v4+s6+$0x0], $0xffff  }
0x127: {  	s17 =	simm.s32 $0x40;
	s19 =	simm.s32 $0x110A0;
	v4 =	vld.idx.msk [tilespmem:v7+s6+$0x0], $0xffff;
	[tilespmem:s14+$0x10] =	vst v8  }
.LBB2_11:
0x128: {  	v7 =	vld [tilespmem:s19+$0x10];
	s17 =	sadd.s32 $0x40, s17  }
0x129: {  	v8 =	vld [tilespmem:s19+$0xFFFFFFF0];
	p2 =	slt.u32 s17, $0x3C0;
	[tilespmem:s14+$0xFFFFFFE0] =	vst v5  }
0x12a: {  	v9 =	vld [tilespmem:s19+$0x0];
	[tilespmem:s14+$0xFFFFFFF0] =	vst v2  }
0x12b: {  	v10 =	vld [tilespmem:s19+$0xFFFFFFE0];
	[tilespmem:s14+$0x0] =	vst v3  }
.Ltmp4:
0x12c: {  	s14 =	sadd.s32 $0x40, s14;
	v5 =	vld.idx.msk [tilespmem:v6+s6+$0x0], $0xffff;
	(pc) =	sbr.rel @p2 .LBB2_11-.Ltmp4, $4  }
0x12d: {  	v2 =	vld.idx.msk [tilespmem:v1+s6+$0x0], $0xffff;
	[tilespmem:s14+$0x10] =	vst v4  }
0x12e: {  	v3 =	vld.idx.msk [tilespmem:v0+s6+$0x0], $0xffff;
	v1 =	vmov v8  }
0x12f: {  	v0 =	vmov v9  }
0x130: {  	s19 =	sadd.s32 $0x40, s19;
	v4 =	vld.idx.msk [tilespmem:v7+s6+$0x0], $0xffff;
	v6 =	vmov v10  }
0x131: {  	_ =	sdelay $0x3  }
0x132: {  	v6 =	vld.idx.msk [tilespmem:v6+s6+$0x0], $0xffff  }
0x133: {  	[tilespmem:s14+$0xFFFFFFE0] =	vst v5;
	v1 =	vld.idx.msk [tilespmem:v1+s6+$0x0], $0xffff  }
0x134: {  	v0 =	vld.idx.msk [tilespmem:v0+s6+$0x0], $0xffff;
	[tilespmem:s14+$0xFFFFFFF0] =	vst v2  }
0x135: {  	s17 =	sadd.s32 $0x40, s14;
	[tilespmem:s14+$0x0] =	vst v3  }
0x136: {  	[tilespmem:s17+$0x10] =	vst v4  }
0x137: {  	[tilespmem:s17+$0xFFFFFFE0] =	vst v6  }
0x138: {  	[tilespmem:s17+$0xFFFFFFF0] =	vst v1  }
0x139: {  	[tilespmem:s17+$0x0] =	vst v0  }
0x13a: {  	s14 =	sld [smem:$0x7FC];
	_ =	sdelay $0x2  }
0x13b: {  	s17 =	simm.s32 $0x13000;
	s14 =	sadd.s32 s8, s14  }
0x13c: {  	[hbm4b:s14+s4] =	stream.strided.scatter [tilespmem:s17], [sflag:$0xD], $0x400, s7, s4, $0x38;
	[tilespmem:$0x14000] =	vst v63  }
0x13d: {  	s19 =	simm.s32 @!p1 $0x400;
	s14 =	rddreg [dreg:$0xf]  }
0x13e: {  	s22 =	simm.s32 @!p1 $0x8000;
	s17 =	simm.s32 @!p1 $0x80;
	s14 =	sadd.s32 @!p1 s10, s14  }
0x13f: {  	[tilespmem:s22], [sflag:$0x5] =	stream.strided.gather @!p1 [hbm4b:s14+s17], $0x2000, s19, s17, $0x38;
	[tilespmem:$0x14000] =	vst v63  }
0x140: {  	s14 =	rddreg [dreg:$0x18]  }
0x141: {  	s22 =	simm.s32 @!p1 $0x11000;
	s14 =	sadd.s32 @!p1 s13, s14  }
0x142: {  	[tilespmem:s22], [sflag:$0x5] =	stream.strided.gather @!p1 [hbm4b:s14+s17], $0x400, s19, s17, $0x38;
	[tilespmem:$0x14000] =	vst v63  }
0x143: {  	_ =	swait.ge [sflag:s24], $0x2000  }
0x144: {  	[sflag:s24] =	ssyncset.done $0x0  }
0x145: {  	[sflag:s24] =	ssyncadd.s32 $0xFFFFE000  }
0x146: {  	_ =	swait.ge [sflag:s24], $0x400  }
0x147: {  	[sflag:s24] =	ssyncset.done $0x0  }
0x148: {  	s14 =	simm.s32 @!p0 $0xE;
	[sflag:s24] =	ssyncadd.s32 $0xFFFFFC00  }
0x149: {  	_ =	swait.ge @!p0 [sflag:s14], $0x400  }
0x14a: {  	[sflag:s14] =	ssyncset.done @!p0 $0x0  }
0x14b: {  	s19 =	simm.s32 $0x11420;
	[sflag:s14] =	ssyncadd.s32 @!p0 $0xFFFFFC00  }
0x14c: {  	v0 =	vld [tilespmem:s19+$0x10];
	_ =	sdelay $0x1  }
0x14d: {  	v2 =	vld [tilespmem:s19+$0xFFFFFFE0]  }
0x14e: {  	v3 =	vld [tilespmem:s19+$0xFFFFFFF0]  }
0x14f: {  	s22 =	simm.s32 $0x11460;
	v4 =	vld [tilespmem:s19+$0x0]  }
0x150: {  	v7 =	vld [tilespmem:s22+$0x10]  }
0x151: {  	v1 =	vld [tilespmem:s22+$0xFFFFFFF0]  }
0x152: {  	v6 =	vld [tilespmem:s22+$0xFFFFFFE0]  }
0x153: {  	v8 =	vld.idx.msk [tilespmem:v0+s9+$0x0], $0xffff  }
0x154: {  	v0 =	vld [tilespmem:s22+$0x0]  }
0x155: {  	v5 =	vld.idx.msk [tilespmem:v2+s9+$0x0], $0xffff  }
0x156: {  	v2 =	vld.idx.msk [tilespmem:v3+s9+$0x0], $0xffff  }
0x157: {  	s14 =	simm.s32 $0x13420;
	v3 =	vld.idx.msk [tilespmem:v4+s9+$0x0], $0xffff  }
0x158: {  	s17 =	simm.s32 $0x40;
	s19 =	simm.s32 $0x114A0;
	v4 =	vld.idx.msk [tilespmem:v7+s9+$0x0], $0xffff;
	[tilespmem:s14+$0x10] =	vst v8  }
.LBB2_13:
0x159: {  	v7 =	vld [tilespmem:s19+$0x10];
	s17 =	sadd.s32 $0x40, s17  }
0x15a: {  	v8 =	vld [tilespmem:s19+$0xFFFFFFF0];
	p2 =	slt.u32 s17, $0x3C0;
	[tilespmem:s14+$0xFFFFFFE0] =	vst v5  }
0x15b: {  	v9 =	vld [tilespmem:s19+$0x0];
	[tilespmem:s14+$0xFFFFFFF0] =	vst v2  }
0x15c: {  	v10 =	vld [tilespmem:s19+$0xFFFFFFE0];
	[tilespmem:s14+$0x0] =	vst v3  }
.Ltmp5:
0x15d: {  	s14 =	sadd.s32 $0x40, s14;
	v5 =	vld.idx.msk [tilespmem:v6+s9+$0x0], $0xffff;
	(pc) =	sbr.rel @p2 .LBB2_13-.Ltmp5, $4  }
0x15e: {  	v2 =	vld.idx.msk [tilespmem:v1+s9+$0x0], $0xffff;
	[tilespmem:s14+$0x10] =	vst v4  }
0x15f: {  	v3 =	vld.idx.msk [tilespmem:v0+s9+$0x0], $0xffff;
	v1 =	vmov v8  }
0x160: {  	v0 =	vmov v9  }
0x161: {  	s19 =	sadd.s32 $0x40, s19;
	v4 =	vld.idx.msk [tilespmem:v7+s9+$0x0], $0xffff;
	v6 =	vmov v10  }
0x162: {  	_ =	sdelay $0x3  }
0x163: {  	v6 =	vld.idx.msk [tilespmem:v6+s9+$0x0], $0xffff  }
0x164: {  	[tilespmem:s14+$0xFFFFFFE0] =	vst v5;
	v1 =	vld.idx.msk [tilespmem:v1+s9+$0x0], $0xffff  }
0x165: {  	v0 =	vld.idx.msk [tilespmem:v0+s9+$0x0], $0xffff;
	[tilespmem:s14+$0xFFFFFFF0] =	vst v2  }
0x166: {  	s17 =	sadd.s32 $0x40, s14;
	[tilespmem:s14+$0x0] =	vst v3  }
0x167: {  	[tilespmem:s17+$0x10] =	vst v4  }
0x168: {  	[tilespmem:s17+$0xFFFFFFE0] =	vst v6  }
0x169: {  	[tilespmem:s17+$0xFFFFFFF0] =	vst v1  }
0x16a: {  	[tilespmem:s17+$0x0] =	vst v0  }
0x16b: {  	s14 =	sld [smem:$0x7FD];
	_ =	sdelay $0x2  }
0x16c: {  	s17 =	simm.s32 $0x13400;
	s14 =	sadd.s32 s8, s14  }
0x16d: {  	[hbm4b:s14+s4] =	stream.strided.scatter [tilespmem:s17], [sflag:$0xE], $0x400, s7, s4, $0x38;
	[tilespmem:$0x14000] =	vst v63  }
0x16e: {  	s19 =	simm.s32 @!p1 $0x400;
	s14 =	rddreg [dreg:$0x11]  }
0x16f: {  	s22 =	simm.s32 @!p1 $0xA000;
	s17 =	simm.s32 @!p1 $0x80;
	s14 =	sadd.s32 @!p1 s10, s14  }
0x170: {  	[tilespmem:s22], [sflag:$0x6] =	stream.strided.gather @!p1 [hbm4b:s14+s17], $0x2000, s19, s17, $0x38;
	[tilespmem:$0x14000] =	vst v63  }
0x171: {  	s14 =	rddreg [dreg:$0x1a]  }
0x172: {  	s22 =	simm.s32 @!p1 $0x11400;
	s14 =	sadd.s32 @!p1 s13, s14  }
0x173: {  	[tilespmem:s22], [sflag:$0x6] =	stream.strided.gather @!p1 [hbm4b:s14+s17], $0x400, s19, s17, $0x38;
	[tilespmem:$0x14000] =	vst v63  }
0x174: {  	_ =	swait.ge [sflag:s28], $0x2000  }
0x175: {  	[sflag:s28] =	ssyncset.done $0x0  }
0x176: {  	[sflag:s28] =	ssyncadd.s32 $0xFFFFE000  }
0x177: {  	_ =	swait.ge [sflag:s28], $0x400  }
0x178: {  	[sflag:s28] =	ssyncset.done $0x0  }
0x179: {  	s14 =	simm.s32 @!p0 $0xF;
	[sflag:s28] =	ssyncadd.s32 $0xFFFFFC00  }
0x17a: {  	_ =	swait.ge @!p0 [sflag:s14], $0x400  }
0x17b: {  	[sflag:s14] =	ssyncset.done @!p0 $0x0  }
0x17c: {  	s19 =	simm.s32 $0x11820;
	[sflag:s14] =	ssyncadd.s32 @!p0 $0xFFFFFC00  }
0x17d: {  	v0 =	vld [tilespmem:s19+$0x10];
	_ =	sdelay $0x1  }
0x17e: {  	v2 =	vld [tilespmem:s19+$0xFFFFFFE0]  }
0x17f: {  	v3 =	vld [tilespmem:s19+$0xFFFFFFF0]  }
0x180: {  	s22 =	simm.s32 $0x11860;
	v4 =	vld [tilespmem:s19+$0x0]  }
0x181: {  	v7 =	vld [tilespmem:s22+$0x10]  }
0x182: {  	v1 =	vld [tilespmem:s22+$0xFFFFFFF0]  }
0x183: {  	v6 =	vld [tilespmem:s22+$0xFFFFFFE0]  }
0x184: {  	v8 =	vld.idx.msk [tilespmem:v0+s11+$0x0], $0xffff  }
0x185: {  	v0 =	vld [tilespmem:s22+$0x0]  }
0x186: {  	v5 =	vld.idx.msk [tilespmem:v2+s11+$0x0], $0xffff  }
0x187: {  	v2 =	vld.idx.msk [tilespmem:v3+s11+$0x0], $0xffff  }
0x188: {  	s14 =	simm.s32 $0x13820;
	v3 =	vld.idx.msk [tilespmem:v4+s11+$0x0], $0xffff  }
0x189: {  	s17 =	simm.s32 $0x40;
	s19 =	simm.s32 $0x118A0;
	v4 =	vld.idx.msk [tilespmem:v7+s11+$0x0], $0xffff;
	[tilespmem:s14+$0x10] =	vst v8  }
.LBB2_15:
0x18a: {  	v7 =	vld [tilespmem:s19+$0x10];
	s17 =	sadd.s32 $0x40, s17  }
0x18b: {  	v8 =	vld [tilespmem:s19+$0xFFFFFFF0];
	p2 =	slt.u32 s17, $0x3C0;
	[tilespmem:s14+$0xFFFFFFE0] =	vst v5  }
0x18c: {  	v9 =	vld [tilespmem:s19+$0x0];
	[tilespmem:s14+$0xFFFFFFF0] =	vst v2  }
0x18d: {  	v10 =	vld [tilespmem:s19+$0xFFFFFFE0];
	[tilespmem:s14+$0x0] =	vst v3  }
.Ltmp6:
0x18e: {  	s14 =	sadd.s32 $0x40, s14;
	v5 =	vld.idx.msk [tilespmem:v6+s11+$0x0], $0xffff;
	(pc) =	sbr.rel @p2 .LBB2_15-.Ltmp6, $4  }
0x18f: {  	v2 =	vld.idx.msk [tilespmem:v1+s11+$0x0], $0xffff;
	[tilespmem:s14+$0x10] =	vst v4  }
0x190: {  	v3 =	vld.idx.msk [tilespmem:v0+s11+$0x0], $0xffff;
	v1 =	vmov v8  }
0x191: {  	v0 =	vmov v9  }
0x192: {  	s19 =	sadd.s32 $0x40, s19;
	v4 =	vld.idx.msk [tilespmem:v7+s11+$0x0], $0xffff;
	v6 =	vmov v10  }
0x193: {  	_ =	sdelay $0x3  }
0x194: {  	v6 =	vld.idx.msk [tilespmem:v6+s11+$0x0], $0xffff  }
0x195: {  	[tilespmem:s14+$0xFFFFFFE0] =	vst v5;
	v1 =	vld.idx.msk [tilespmem:v1+s11+$0x0], $0xffff  }
0x196: {  	v0 =	vld.idx.msk [tilespmem:v0+s11+$0x0], $0xffff;
	[tilespmem:s14+$0xFFFFFFF0] =	vst v2  }
0x197: {  	s19 =	sadd.s32 $0x40, s14;
	[tilespmem:s14+$0x0] =	vst v3  }
0x198: {  	[tilespmem:s19+$0x10] =	vst v4  }
0x199: {  	[tilespmem:s19+$0xFFFFFFE0] =	vst v6  }
0x19a: {  	[tilespmem:s19+$0xFFFFFFF0] =	vst v1  }
0x19b: {  	s22 =	sadd.s32 s8, s26;
	s17 =	simm.s32 $0x13800;
	[tilespmem:s19+$0x0] =	vst v0  }
0x19c: {  	[hbm4b:s22+s4] =	stream.strided.scatter [tilespmem:s17], [sflag:$0xF], $0x400, s7, s4, $0x38;
	[tilespmem:$0x14000] =	vst v63  }
0x19d: {  	s19 =	simm.s32 @!p1 $0xC000;
	s14 =	rddreg [dreg:$0x12]  }
0x19e: {  	s17 =	simm.s32 @!p1 $0x400;
	s10 =	sadd.s32 @!p1 s10, s14;
	s14 =	simm.s32 @!p1 $0x80  }
0x19f: {  	[tilespmem:s19], [sflag:$0x7] =	stream.strided.gather @!p1 [hbm4b:s10+s14], $0x2000, s17, s14, $0x38;
	[tilespmem:$0x14000] =	vst v63  }
0x1a0: {  	s10 =	rddreg [dreg:$0x1b]  }
0x1a1: {  	s10 =	sadd.s32 @!p1 s13, s10;
	s13 =	simm.s32 @!p1 $0x11800  }
0x1a2: {  	[tilespmem:s13], [sflag:$0x7] =	stream.strided.gather @!p1 [hbm4b:s10+s14], $0x400, s17, s14, $0x38;
	[tilespmem:$0x14000] =	vst v63  }
0x1a3: {  	_ =	swait.ge [sflag:s30], $0x2000  }
0x1a4: {  	[sflag:s30] =	ssyncset.done $0x0  }
0x1a5: {  	[sflag:s30] =	ssyncadd.s32 $0xFFFFE000  }
0x1a6: {  	_ =	swait.ge [sflag:s30], $0x400  }
0x1a7: {  	[sflag:s30] =	ssyncset.done $0x0  }
0x1a8: {  	s10 =	simm.s32 @!p0 $0x10;
	[sflag:s30] =	ssyncadd.s32 $0xFFFFFC00  }
0x1a9: {  	_ =	swait.ge @!p0 [sflag:s10], $0x400  }
0x1aa: {  	[sflag:s10] =	ssyncset.done @!p0 $0x0  }
0x1ab: {  	s19 =	simm.s32 $0x11C20;
	[sflag:s10] =	ssyncadd.s32 @!p0 $0xFFFFFC00  }
0x1ac: {  	v0 =	vld [tilespmem:s19+$0x10];
	_ =	sdelay $0x1  }
0x1ad: {  	v2 =	vld [tilespmem:s19+$0xFFFFFFE0]  }
0x1ae: {  	v3 =	vld [tilespmem:s19+$0xFFFFFFF0]  }
0x1af: {  	s22 =	simm.s32 $0x11C60;
	v4 =	vld [tilespmem:s19+$0x0]  }
0x1b0: {  	v7 =	vld [tilespmem:s22+$0x10]  }
0x1b1: {  	v1 =	vld [tilespmem:s22+$0xFFFFFFF0]  }
0x1b2: {  	v6 =	vld [tilespmem:s22+$0xFFFFFFE0]  }
0x1b3: {  	v8 =	vld.idx.msk [tilespmem:v0+s12+$0x0], $0xffff  }
0x1b4: {  	v0 =	vld [tilespmem:s22+$0x0]  }
0x1b5: {  	v5 =	vld.idx.msk [tilespmem:v2+s12+$0x0], $0xffff  }
0x1b6: {  	v2 =	vld.idx.msk [tilespmem:v3+s12+$0x0], $0xffff  }
0x1b7: {  	s10 =	simm.s32 $0x13C20;
	v3 =	vld.idx.msk [tilespmem:v4+s12+$0x0], $0xffff  }
0x1b8: {  	s13 =	simm.s32 $0x40;
	s14 =	simm.s32 $0x11CA0;
	v4 =	vld.idx.msk [tilespmem:v7+s12+$0x0], $0xffff;
	[tilespmem:s10+$0x10] =	vst v8  }
.LBB2_17:
0x1b9: {  	v7 =	vld [tilespmem:s14+$0x10];
	s13 =	sadd.s32 $0x40, s13  }
0x1ba: {  	v8 =	vld [tilespmem:s14+$0xFFFFFFF0];
	p0 =	slt.u32 s13, $0x3C0;
	[tilespmem:s10+$0xFFFFFFE0] =	vst v5  }
0x1bb: {  	v9 =	vld [tilespmem:s14+$0x0];
	[tilespmem:s10+$0xFFFFFFF0] =	vst v2  }
0x1bc: {  	v10 =	vld [tilespmem:s14+$0xFFFFFFE0];
	[tilespmem:s10+$0x0] =	vst v3  }
.Ltmp7:
0x1bd: {  	s10 =	sadd.s32 $0x40, s10;
	v5 =	vld.idx.msk [tilespmem:v6+s12+$0x0], $0xffff;
	(pc) =	sbr.rel @p0 .LBB2_17-.Ltmp7, $4  }
0x1be: {  	v2 =	vld.idx.msk [tilespmem:v1+s12+$0x0], $0xffff;
	[tilespmem:s10+$0x10] =	vst v4  }
0x1bf: {  	v3 =	vld.idx.msk [tilespmem:v0+s12+$0x0], $0xffff;
	v1 =	vmov v8  }
0x1c0: {  	v0 =	vmov v9  }
0x1c1: {  	s14 =	sadd.s32 $0x40, s14;
	v4 =	vld.idx.msk [tilespmem:v7+s12+$0x0], $0xffff;
	v6 =	vmov v10  }
0x1c2: {  	_ =	sdelay $0x3  }
0x1c3: {  	v6 =	vld.idx.msk [tilespmem:v6+s12+$0x0], $0xffff  }
0x1c4: {  	[tilespmem:s10+$0xFFFFFFE0] =	vst v5;
	v1 =	vld.idx.msk [tilespmem:v1+s12+$0x0], $0xffff  }
0x1c5: {  	v0 =	vld.idx.msk [tilespmem:v0+s12+$0x0], $0xffff;
	s31 =	sadd.s32 $0x1, s31;
	[tilespmem:s10+$0xFFFFFFF0] =	vst v2  }
0x1c6: {  	s19 =	sadd.s32 $0x40, s10;
	p0 =	sne.s32 s31, $0x8;
	[tilespmem:s10+$0x0] =	vst v3  }
.Ltmp8:
0x1c7: {  	[tilespmem:s19+$0x10] =	vst v4;
	(pc) =	sbr.rel @p0 .LBB2_2-.Ltmp8, $4  }
0x1c8: {  	[tilespmem:s19+$0xFFFFFFE0] =	vst v6  }
0x1c9: {  	[tilespmem:s19+$0xFFFFFFF0] =	vst v1  }
0x1ca: {  	s8 =	sadd.s32 s8, s29;
	s22 =	simm.s32 $0x13C00;
	[tilespmem:s19+$0x0] =	vst v0  }
0x1cb: {  	[hbm4b:s8+s4] =	stream.strided.scatter [tilespmem:s22], [sflag:$0x10], $0x400, s7, s4, $0x38;
	[tilespmem:$0x14000] =	vst v63  }
0x1cc: {  	s8 =	simm.s32 $0x9  }
0x1cd: {  	_ =	swait.ge [sflag:s8], $0x400  }
0x1ce: {  	[sflag:s8] =	ssyncset.done $0x0  }
0x1cf: {  	s10 =	simm.s32 $0xA;
	[sflag:s8] =	ssyncadd.s32 $0xFFFFFC00  }
0x1d0: {  	_ =	swait.ge [sflag:s10], $0x400  }
0x1d1: {  	[sflag:s10] =	ssyncset.done $0x0  }
0x1d2: {  	s13 =	simm.s32 $0xB;
	[sflag:s10] =	ssyncadd.s32 $0xFFFFFC00  }
0x1d3: {  	_ =	swait.ge [sflag:s13], $0x400  }
0x1d4: {  	[sflag:s13] =	ssyncset.done $0x0  }
0x1d5: {  	s14 =	simm.s32 $0xC;
	[sflag:s13] =	ssyncadd.s32 $0xFFFFFC00  }
0x1d6: {  	_ =	swait.ge [sflag:s14], $0x400  }
0x1d7: {  	[sflag:s14] =	ssyncset.done $0x0  }
0x1d8: {  	s17 =	simm.s32 $0xD;
	[sflag:s14] =	ssyncadd.s32 $0xFFFFFC00  }
0x1d9: {  	_ =	swait.ge [sflag:s17], $0x400  }
0x1da: {  	[sflag:s17] =	ssyncset.done $0x0  }
0x1db: {  	s19 =	simm.s32 $0xE;
	[sflag:s17] =	ssyncadd.s32 $0xFFFFFC00  }
0x1dc: {  	_ =	swait.ge [sflag:s19], $0x400  }
0x1dd: {  	[sflag:s19] =	ssyncset.done $0x0  }
0x1de: {  	s22 =	simm.s32 $0xF;
	[sflag:s19] =	ssyncadd.s32 $0xFFFFFC00  }
0x1df: {  	_ =	swait.ge [sflag:s22], $0x400  }
0x1e0: {  	[sflag:s22] =	ssyncset.done $0x0  }
0x1e1: {  	s10 =	simm.s32 $0x10;
	[sflag:s22] =	ssyncadd.s32 $0xFFFFFC00  }
0x1e2: {  	_ =	swait.ge [sflag:s10], $0x400  }
0x1e3: {  	s13 =	sld [smem:$0x7F6];
	_ =	sdelay $0x2  }
0x1e4: {  	s31 =	rddreg [dreg:$0x1e];
	s13 =	sadd.s32 $0x1, s13  }
0x1e5: {  	p0 =	sne.s32 s13, s31  }
.Ltmp9:
0x1e6: {  	_ = 	snop;
	(pc) =	sbr.rel @p0 .LBB2_1-.Ltmp9, $3  }
0x1e7: {  	_ =	sdelay $0x1  }
0x1e8: {  	[sflag:s10] =	ssyncset.done $0x0  }
0x1e9: {  	[sflag:s10] =	ssyncadd.s32 $0xFFFFFC00  }
0x1ea: {  	_ =	sfence.sel $0x180000  }
0x1eb: {  	[bflag:$0x0] =	sbarrier.arrive $0xFFFF  }
0x1ec: {  	_ =	strace $0x90000047  }
0x1ed: {  	s0 =	stileid.u32;
	[bflag:$0x2] =	sbarrier.arrive $0xFFFF  }
0x1ee: {  	p0 =	sne.s32 s0, $0x0;
	s0 =	rddreg [dreg:$0x3]  }
0x1ef: {  	s0 =	sadd.s32 @!p0 $0x100000, s0  }
0x1f0: {  	[sflag:s0] =	ssyncadd.tile.s32 @!p0 $0x1;
	_ =	shalt  }
.Lfunc_end2:
_tile_overlayer_lowered:
.L_overlay_start_2:
0x1f1: {  	(tag) =	ssettag $0x2  }
0x1f2: {  	s0 =	rddreg [dreg:$0x0];
	s2 =	stileid.u32  }
0x1f3: {  	s1 =	rddreg [dreg:$0x1];
	p0 =	sne.s32 s2, $0x0  }
0x1f4: {  	s3 =	rddreg [dreg:$0x2];
	[bflag:$0x3] =	sbarrier.arrive $0xFFFF;
	s2 =	simm.s32 @!p0 $0x1C11  }
0x1f5: {  	[timem:s3], [sflag:s2] =	dma.local @!p0 [hbm:s0], s1  }
0x1f6: {  	s0 =	simm.s32 @!p0 $0x11  }
0x1f7: {  	_ =	swait.ge @!p0 [sflag:s0], s1  }
0x1f8: {  	s1 =	ssub.s32 @!p0 $0x0, s1;
	[sflag:s0] =	ssyncset.done @!p0 $0x0  }
0x1f9: {  	[sflag:s0] =	ssyncadd.s32 @!p0 s1  }
0x1fa: {  	[bflag:$0x3] =	sbarrier.arrive $0xFFFF  }
0x1fb: {  	_ =	shalt  }

</sc_bundles>
